<compile_context>
chip_gen: v7x
topology: tpu7x:2x2x1
jax: 0.10.2.dev20260603
libtpu: 0.0.44.dev20260713+nightly
codegen_flags: <defaults>
</compile_context>

<pallas_src>
import functools

import jax
import jax.numpy as jnp
from jax import lax
from jax.experimental import pallas as pl
from jax.experimental.pallas import tpu as pltpu
from jax.experimental.pallas import tpu_sc as plsc

N_NODES = 10000
N_EDGES = 160000
HIDDEN = 256
HALF = HIDDEN // 2
N_SC = 2
N_TILES = 16
EPT = N_EDGES // N_TILES
CH = 80
NCH = EPT // CH
ROW_BLK = 8000


def _mm_body(e_ref, wt_ref, o_ref):
    h = jnp.dot(
        jnp.maximum(e_ref[...], 0.0).astype(jnp.bfloat16), wt_ref[...],
        preferred_element_type=jnp.float32)
    o_ref[0] = h[:, :HALF]
    o_ref[1] = h[:, HALF:]


def _tc_matmul(E, Wt):
    n_row_blocks = N_EDGES // ROW_BLK
    return pl.pallas_call(
        _mm_body,
        grid=(n_row_blocks,),
        in_specs=[
            pl.BlockSpec((ROW_BLK, HIDDEN), lambda i: (i, 0)),
            pl.BlockSpec((HIDDEN, HIDDEN), lambda i: (0, 0)),
        ],
        out_specs=pl.BlockSpec((N_SC, ROW_BLK, HALF), lambda i: (0, i, 0)),
        out_shape=jax.ShapeDtypeStruct((N_SC, N_EDGES, HALF), jnp.float32),
    )(E, Wt)


def _sc_body(hw, dest, src, rev2, binit, out,
             acc, g1_0, g1_1, g2_0, g2_1, i1_0, i1_1, i2_0, i2_1,
             s_g1_0, s_g1_1, s_g2_0, s_g2_1,
             s_i1_0, s_i1_1, s_i2_0, s_i2_1, s_st_0, s_st_1):
    c = lax.axis_index("c")
    s = lax.axis_index("s")
    ebase = s * EPT

    g1 = (g1_0, g1_1)
    g2 = (g2_0, g2_1)
    i1 = (i1_0, i1_1)
    i2 = (i2_0, i2_1)
    s_g1 = (s_g1_0, s_g1_1)
    s_g2 = (s_g2_0, s_g2_1)
    s_i1 = (s_i1_0, s_i1_1)
    s_i2 = (s_i2_0, s_i2_1)
    s_st = (s_st_0, s_st_1)
    i4 = (i1_0, i1_1, i2_0, i2_1)
    s_i4 = (s_i1_0, s_i1_1, s_i2_0, s_i2_1)
    r4 = (g1_0, g1_1, g2_0, g2_1)
    s_r4 = (s_g1_0, s_g1_1, s_g2_0, s_g2_1)

    def hwsl(k):
        return hw.at[pl.ds(c * N_EDGES + ebase + k * CH, CH)]

    def destsl(k):
        return dest.at[pl.ds(ebase + k * CH, CH)]

    def srcsl(k):
        return src.at[pl.ds(ebase + k * CH, CH)]

    def revsl(k):
        return rev2.at[pl.ds(c * N_EDGES + ebase + k * CH, CH)]

    def outsl(k):
        return out.at[pl.ds(ebase + k * CH, CH), pl.ds(c * HALF, HALF)]

    n_init = N_NODES // CH
    my_chunks = 7 + jnp.where(s < (n_init - 7 * N_TILES), 1, 0)

    def p0(k, carry):
        r0 = (k * N_TILES + s) * CH
        pltpu.sync_copy(binit.at[c, pl.ds(r0, CH)], acc.at[pl.ds(r0, CH)])
        return carry

    lax.fori_loop(0, my_chunks, p0, 0)
    plsc.subcore_barrier()
    _scope_p1 = jax.named_scope("sc_scatter")
    _scope_p1.__enter__()

    pltpu.async_copy(hwsl(0), r4[0], s_r4[0])
    pltpu.async_copy(destsl(0), i4[0], s_i4[0])
    pltpu.async_copy(hwsl(1), r4[1], s_r4[1])
    pltpu.async_copy(destsl(1), i4[1], s_i4[1])

    def p1_quad(kk, carry):
        for q in (0, 1, 2, 3):
            k = kk * 4 + q
            b = q % 2
            q2 = (q + 2) % 4

            @pl.when(k < NCH)
            def _():
                pltpu.make_async_copy(hwsl(k), r4[q], s_r4[q]).wait()
                pltpu.make_async_copy(destsl(k), i4[q], s_i4[q]).wait()

                @pl.when(k >= 2)
                def _():
                    pltpu.make_async_copy(
                        r4[q2], acc.at[i4[q2]], s_st[b]).wait()

                @pl.when(k + 2 < NCH)
                def _():
                    pltpu.async_copy(hwsl(k + 2), r4[q2], s_r4[q2])
                    pltpu.async_copy(destsl(k + 2), i4[q2], s_i4[q2])

                pltpu.async_copy(r4[q], acc.at[i4[q]], s_st[b], add=True)

        return carry

    lax.fori_loop(0, (NCH + 3) // 4, p1_quad, 0)
    pltpu.make_async_copy(
        r4[(NCH - 2) % 4], acc.at[i4[(NCH - 2) % 4]],
        s_st[(NCH - 2) % 2]).wait()
    pltpu.make_async_copy(
        r4[(NCH - 1) % 4], acc.at[i4[(NCH - 1) % 4]],
        s_st[(NCH - 1) % 2]).wait()
    _scope_p1.__exit__(None, None, None)
    plsc.subcore_barrier()
    _scope_p2 = jax.named_scope("sc_gather")
    _scope_p2.__enter__()

    pltpu.async_copy(srcsl(0), i1[0], s_i1[0])
    pltpu.async_copy(revsl(0), i2[0], s_i2[0])
    pltpu.make_async_copy(srcsl(0), i1[0], s_i1[0]).wait()
    pltpu.make_async_copy(revsl(0), i2[0], s_i2[0]).wait()
    pltpu.async_copy(acc.at[i1[0]], g1[0], s_g1[0])
    pltpu.async_copy(hw.at[i2[0]], g2[0], s_g2[0])
    pltpu.async_copy(srcsl(1), i1[1], s_i1[1])
    pltpu.async_copy(revsl(1), i2[1], s_i2[1])

    def p2_pair(kk, carry):
        for b in (0, 1):
            k = kk * 2 + b
            o = 1 - b

            @pl.when(k < NCH)
            def _():
                @pl.when(k + 1 < NCH)
                def _():
                    pltpu.make_async_copy(srcsl(k + 1), i1[o], s_i1[o]).wait()
                    pltpu.make_async_copy(revsl(k + 1), i2[o], s_i2[o]).wait()

                    @pl.when(k >= 1)
                    def _():
                        pltpu.make_async_copy(
                            g1[o], outsl(k - 1), s_st[o]).wait()

                    pltpu.async_copy(acc.at[i1[o]], g1[o], s_g1[o])
                    pltpu.async_copy(hw.at[i2[o]], g2[o], s_g2[o])

                pltpu.make_async_copy(acc.at[i1[b]], g1[b], s_g1[b]).wait()
                pltpu.make_async_copy(hw.at[i2[b]], g2[b], s_g2[b]).wait()

                @pl.when(k + 2 < NCH)
                def _():
                    pltpu.async_copy(srcsl(k + 2), i1[b], s_i1[b])
                    pltpu.async_copy(revsl(k + 2), i2[b], s_i2[b])

                def rows(rv, rc):
                    for rr in (0, 1):
                        r = rv * 2 + rr
                        for j in range(HALF // 16):
                            sl = pl.ds(j * 16, 16)
                            plsc.addupdate(g1[b].at[r, sl], -g2[b][r, sl])
                    return rc

                lax.fori_loop(0, CH // 2, rows, 0)

                pltpu.async_copy(g1[b], outsl(k), s_st[b])

        return carry

    lax.fori_loop(0, (NCH + 1) // 2, p2_pair, 0)
    pltpu.make_async_copy(g1[1], outsl(NCH - 2), s_st[1]).wait()
    pltpu.make_async_copy(g1[0], outsl(NCH - 1), s_st[0]).wait()
    _scope_p2.__exit__(None, None, None)


def kernel(E, V, edge_index, rev_index, W, b):
    src = edge_index[0].astype(jnp.int32)
    dest = edge_index[1].astype(jnp.int32)
    rev = rev_index.astype(jnp.int32)
    rev2 = jnp.concatenate([rev, rev + N_EDGES])
    binit = jnp.broadcast_to(
        b.reshape(N_SC, 1, HALF), (N_SC, N_NODES, HALF))

    hw = _tc_matmul(E, W.T.astype(jnp.bfloat16))
    hw = hw.reshape(N_SC * N_EDGES, HALF)

    mesh = plsc.VectorSubcoreMesh(core_axis_name="c", subcore_axis_name="s")
    sc_call = pl.kernel(
        _sc_body,
        out_type=jax.ShapeDtypeStruct((N_EDGES, HIDDEN), jnp.float32),
        mesh=mesh,
        scratch_types=[
            pltpu.VMEM_SHARED((N_NODES, HALF), jnp.float32),
            pltpu.VMEM((CH, HALF), jnp.float32),
            pltpu.VMEM((CH, HALF), jnp.float32),
            pltpu.VMEM((CH, HALF), jnp.float32),
            pltpu.VMEM((CH, HALF), jnp.float32),
            pltpu.VMEM((CH,), jnp.int32),
            pltpu.VMEM((CH,), jnp.int32),
            pltpu.VMEM((CH,), jnp.int32),
            pltpu.VMEM((CH,), jnp.int32),
            pltpu.SemaphoreType.DMA,
            pltpu.SemaphoreType.DMA,
            pltpu.SemaphoreType.DMA,
            pltpu.SemaphoreType.DMA,
            pltpu.SemaphoreType.DMA,
            pltpu.SemaphoreType.DMA,
            pltpu.SemaphoreType.DMA,
            pltpu.SemaphoreType.DMA,
            pltpu.SemaphoreType.DMA,
            pltpu.SemaphoreType.DMA,
        ],
    )
    return sc_call(hw, dest, src, rev2, binit)

# --- scband reference (transcript-rebuilt; emitter-appended) ---
"""Pipeline reference for scband-chemprop-layer-55130200212262 (READ-ONLY COPY).

The authoritative reference and input builder live on the scoring server;
editing this copy changes nothing except your own understanding.
"""

import jax, jax.numpy as jnp
import numpy as np

N_NODES = 10000
N_EDGES = 160000
HIDDEN = 256


def setup_inputs(seed: int = 0) -> dict:
    key = jax.random.key(seed)
    k1, k2, k3, k4, k5, k6 = jax.random.split(key, 6)
    E = jax.random.normal(k1, (N_EDGES, HIDDEN), dtype=jnp.float32)
    V = jax.random.normal(k2, (N_NODES, HIDDEN), dtype=jnp.float32)
    edge_index = jax.random.randint(k3, (2, N_EDGES), 0, N_NODES, dtype=jnp.int64)
    rev_index = jax.random.randint(k4, (N_EDGES,), 0, N_EDGES, dtype=jnp.int64)
    W = jax.random.normal(k5, (HIDDEN, HIDDEN), dtype=jnp.float32) * 0.05
    b = jnp.zeros((HIDDEN,), dtype=jnp.float32)
    return {"E": E, "V": V, "edge_index": edge_index, "rev_index": rev_index, "W": W, "b": b}


def reference(E, V, edge_index, rev_index, W, b):
    src = edge_index[0]
    dest = edge_index[1]
    # act(E)
    H_uv = jax.nn.relu(E)
    M_uv = H_uv
    # scatter-sum edge messages to destination nodes
    M_v = jax.ops.segment_sum(M_uv, dest, num_segments=V.shape[0])
    # gather back to edges and subtract reverse-edge message
    M_uv = M_v[src] - M_uv[rev_index]
    # update: Linear(hidden, hidden) (dropout=0.0 is identity in eval)
    H_out = M_uv @ W.T + b
    return H_out

if __name__ == "__main__":
    import jax
    _d = setup_inputs()
    print(jax.jit(kernel)(*tuple(_d.values())))

</pallas_src>

<mosaic_0001>
#map = affine_map<(d0, d1) -> (0, 0)>
#map1 = affine_map<(d0, d1) -> (0)>
#map2 = affine_map<(d0, d1) -> (0, 0, 0)>
module attributes {stable_mosaic.version = 14 : i64} {
  func.func @_sc_body(%arg0: i32, %arg1: i32, %arg2: memref<320000x128xf32, #tpu.memory_space<hbm>>, %arg3: memref<160000xi32, #tpu.memory_space<hbm>>, %arg4: memref<160000xi32, #tpu.memory_space<hbm>>, %arg5: memref<320000xi32, #tpu.memory_space<hbm>>, %arg6: memref<2x10000x128xf32, #tpu.memory_space<hbm>>, %arg7: memref<160000x256xf32, #tpu.memory_space<hbm>>, %arg8: memref<10000x128xf32, #tpu.memory_space<vmem_shared>>, %arg9: memref<80x128xf32, #tpu.memory_space<vmem>>, %arg10: memref<80x128xf32, #tpu.memory_space<vmem>>, %arg11: memref<80x128xf32, #tpu.memory_space<vmem>>, %arg12: memref<80x128xf32, #tpu.memory_space<vmem>>, %arg13: memref<80xi32, #tpu.memory_space<vmem>>, %arg14: memref<80xi32, #tpu.memory_space<vmem>>, %arg15: memref<80xi32, #tpu.memory_space<vmem>>, %arg16: memref<80xi32, #tpu.memory_space<vmem>>, %arg17: memref<!tpu.dma_semaphore, #tpu.memory_space<semaphore_mem>>, %arg18: memref<!tpu.dma_semaphore, #tpu.memory_space<semaphore_mem>>, %arg19: memref<!tpu.dma_semaphore, #tpu.memory_space<semaphore_mem>>, %arg20: memref<!tpu.dma_semaphore, #tpu.memory_space<semaphore_mem>>, %arg21: memref<!tpu.dma_semaphore, #tpu.memory_space<semaphore_mem>>, %arg22: memref<!tpu.dma_semaphore, #tpu.memory_space<semaphore_mem>>, %arg23: memref<!tpu.dma_semaphore, #tpu.memory_space<semaphore_mem>>, %arg24: memref<!tpu.dma_semaphore, #tpu.memory_space<semaphore_mem>>, %arg25: memref<!tpu.dma_semaphore, #tpu.memory_space<semaphore_mem>>, %arg26: memref<!tpu.dma_semaphore, #tpu.memory_space<semaphore_mem>>) attributes {dimension_semantics = [#tpu.dimension_semantics<core_parallel>, #tpu.dimension_semantics<subcore_parallel>], iteration_bounds = array<i64: 2, 16>, scalar_prefetch = 0 : i64, scratch_operands = 19 : i64, tpu.core_type = #tpu.core_type<sc_vector_subcore>, window_params = [{transform_indices = #map}, {transform_indices = #map1}, {transform_indices = #map1}, {transform_indices = #map1}, {transform_indices = #map2}, {transform_indices = #map}]} {
    %mul3A = arith.constant 10000 : i32
    %mul3A_0 = arith.muli %arg1, %mul3A : i32
    %lt3A = arith.constant 13 : i32
    %lt3A_1 = arith.cmpi slt, %arg1, %lt3A : i32
    %jit3A = arith.constant 1 : i32
    %jit3A_2 = arith.constant 0 : i32
    %select_n3A = arith.select %lt3A_1, %jit3A, %jit3A_2 : i32
    %add3A = arith.constant 7 : i32
    %add3A_3 = arith.addi %add3A, %select_n3A : i32
    %while3A = arith.constant 0 : i32
    %while3A_4 = arith.constant 0 : i32
    %while3A_5 = arith.subi %add3A_3, %while3A_4 : i32
    %while3A_6 = arith.addi %while3A_4, %while3A_5 : i32
    %while3A_7 = arith.constant 1 : i32
    %while3A_8 = arith.divsi %while3A_5, %while3A_7 : i32
    %while3A_9 = arith.muli %while3A_8, %while3A_7 : i32
    %while3A_10 = arith.addi %while3A_4, %while3A_9 : i32
    %while3A_11 = arith.constant 1 : i32
    scf.for %while3A_106 = %while3A_4 to %while3A_10 step %while3A_11  : i32 {
      %mul3A_107 = arith.constant 16 : i32
      %mul3A_108 = arith.muli %while3A_106, %mul3A_107 : i32
      %add3A_109 = arith.addi %mul3A_108, %arg1 : i32
      %mul3A_110 = arith.constant 80 : i32
      %mul3A_111 = arith.muli %add3A_109, %mul3A_110 : i32
      "tpu.region"() ({
        %run_scoped3A = tpu.sem_alloc : memref<!tpu.dma_semaphore, #tpu.memory_space<semaphore_mem>>
        %dma_start3A_112 = arith.constant 0 : i32
        %dma_start3A_113 = tpu.memref_slice %arg8[%mul3A_111, %dma_start3A_112] : memref<10000x128xf32, #tpu.memory_space<vmem_shared>> -> memref<80x128xf32, #tpu.memory_space<vmem_shared>>
        %dma_start3A_114 = arith.constant 0 : i32
        %dma_start3A_115 = tpu.memref_slice %arg6[%arg0, %mul3A_111, %dma_start3A_114] : memref<2x10000x128xf32, #tpu.memory_space<hbm>> -> memref<1x80x128xf32, #tpu.memory_space<hbm>>
        %dma_start3A_116 = tpu.memref_squeeze %dma_start3A_115 : memref<1x80x128xf32, #tpu.memory_space<hbm>> -> memref<80x128xf32, #tpu.memory_space<hbm>>
        tpu.enqueue_dma source(%dma_start3A_116 : memref<80x128xf32, #tpu.memory_space<hbm>>) target(%dma_start3A_113 : memref<80x128xf32, #tpu.memory_space<vmem_shared>>) target_semaphore(%run_scoped3A : memref<!tpu.dma_semaphore, #tpu.memory_space<semaphore_mem>>)
        %dma_wait3A_117 = arith.constant 0 : i32
        %dma_wait3A_118 = tpu.memref_slice %arg8[%mul3A_111, %dma_wait3A_117] : memref<10000x128xf32, #tpu.memory_space<vmem_shared>> -> memref<80x128xf32, #tpu.memory_space<vmem_shared>>
        %dma_wait3A_119 = arith.constant 0 : i32
        %dma_wait3A_120 = tpu.memref_slice %arg6[%arg0, %mul3A_111, %dma_wait3A_119] : memref<2x10000x128xf32, #tpu.memory_space<hbm>> -> memref<1x80x128xf32, #tpu.memory_space<hbm>>
        %dma_wait3A_121 = tpu.memref_squeeze %dma_wait3A_120 : memref<1x80x128xf32, #tpu.memory_space<hbm>> -> memref<80x128xf32, #tpu.memory_space<hbm>>
        tpu.wait_dma2 semaphore(%run_scoped3A : memref<!tpu.dma_semaphore, #tpu.memory_space<semaphore_mem>>) src(%dma_wait3A_121 : memref<80x128xf32, #tpu.memory_space<hbm>>) dst(%dma_wait3A_118 : memref<80x128xf32, #tpu.memory_space<vmem_shared>>)
        tpu.yield
      }) : () -> ()
    }
    %while3A_12 = arith.constant 1 : i32
    scf.for %while3A_106 = %while3A_10 to %while3A_6 step %while3A_12  : i32 {
      %mul3A_107 = arith.constant 16 : i32
      %mul3A_108 = arith.muli %while3A_106, %mul3A_107 : i32
      %add3A_109 = arith.addi %mul3A_108, %arg1 : i32
      %mul3A_110 = arith.constant 80 : i32
      %mul3A_111 = arith.muli %add3A_109, %mul3A_110 : i32
      "tpu.region"() ({
        %run_scoped3A = tpu.sem_alloc : memref<!tpu.dma_semaphore, #tpu.memory_space<semaphore_mem>>
        %dma_start3A_112 = arith.constant 0 : i32
        %dma_start3A_113 = tpu.memref_slice %arg8[%mul3A_111, %dma_start3A_112] : memref<10000x128xf32, #tpu.memory_space<vmem_shared>> -> memref<80x128xf32, #tpu.memory_space<vmem_shared>>
        %dma_start3A_114 = arith.constant 0 : i32
        %dma_start3A_115 = tpu.memref_slice %arg6[%arg0, %mul3A_111, %dma_start3A_114] : memref<2x10000x128xf32, #tpu.memory_space<hbm>> -> memref<1x80x128xf32, #tpu.memory_space<hbm>>
        %dma_start3A_116 = tpu.memref_squeeze %dma_start3A_115 : memref<1x80x128xf32, #tpu.memory_space<hbm>> -> memref<80x128xf32, #tpu.memory_space<hbm>>
        tpu.enqueue_dma source(%dma_start3A_116 : memref<80x128xf32, #tpu.memory_space<hbm>>) target(%dma_start3A_113 : memref<80x128xf32, #tpu.memory_space<vmem_shared>>) target_semaphore(%run_scoped3A : memref<!tpu.dma_semaphore, #tpu.memory_space<semaphore_mem>>)
        %dma_wait3A_117 = arith.constant 0 : i32
        %dma_wait3A_118 = tpu.memref_slice %arg8[%mul3A_111, %dma_wait3A_117] : memref<10000x128xf32, #tpu.memory_space<vmem_shared>> -> memref<80x128xf32, #tpu.memory_space<vmem_shared>>
        %dma_wait3A_119 = arith.constant 0 : i32
        %dma_wait3A_120 = tpu.memref_slice %arg6[%arg0, %mul3A_111, %dma_wait3A_119] : memref<2x10000x128xf32, #tpu.memory_space<hbm>> -> memref<1x80x128xf32, #tpu.memory_space<hbm>>
        %dma_wait3A_121 = tpu.memref_squeeze %dma_wait3A_120 : memref<1x80x128xf32, #tpu.memory_space<hbm>> -> memref<80x128xf32, #tpu.memory_space<hbm>>
        tpu.wait_dma2 semaphore(%run_scoped3A : memref<!tpu.dma_semaphore, #tpu.memory_space<semaphore_mem>>) src(%dma_wait3A_121 : memref<80x128xf32, #tpu.memory_space<hbm>>) dst(%dma_wait3A_118 : memref<80x128xf32, #tpu.memory_space<vmem_shared>>)
        tpu.yield
      }) : () -> ()
    }
    %barrier3A = arith.constant 0 : index
    tpu.barrier barrier_id(%barrier3A)
    "tpu.trace_start"() <{level = 10 : i32, message = "sc_scatter"}> : () -> ()
    %mul3A_13 = arith.constant 160000 : i32
    %mul3A_14 = arith.muli %arg0, %mul3A_13 : i32
    %add3A_15 = arith.addi %mul3A_14, %mul3A_0 : i32
    %add3A_16 = arith.constant 0 : i32
    %add3A_17 = arith.addi %add3A_15, %add3A_16 : i32
    %dma_start3A = arith.constant 0 : i32
    %dma_start3A_18 = tpu.memref_slice %arg2[%add3A_17, %dma_start3A] : memref<320000x128xf32, #tpu.memory_space<hbm>> -> memref<80x128xf32, #tpu.memory_space<hbm>>
    %dma_start3A_19 = arith.constant 0 : i32
    %dma_start3A_20 = tpu.memref_slice %arg2[%add3A_17, %dma_start3A_19] : memref<320000x128xf32, #tpu.memory_space<hbm>> -> memref<80x128xf32, #tpu.memory_space<hbm>>
    tpu.enqueue_dma source(%dma_start3A_20 : memref<80x128xf32, #tpu.memory_space<hbm>>) target(%arg9 : memref<80x128xf32, #tpu.memory_space<vmem>>) target_semaphore(%arg17 : memref<!tpu.dma_semaphore, #tpu.memory_space<semaphore_mem>>)
    %add3A_21 = arith.constant 0 : i32
    %add3A_22 = arith.addi %mul3A_0, %add3A_21 : i32
    %dma_start3A_23 = tpu.memref_slice %arg3[%add3A_22] : memref<160000xi32, #tpu.memory_space<hbm>> -> memref<80xi32, #tpu.memory_space<hbm>>
    %dma_start3A_24 = tpu.memref_slice %arg3[%add3A_22] : memref<160000xi32, #tpu.memory_space<hbm>> -> memref<80xi32, #tpu.memory_space<hbm>>
    tpu.enqueue_dma source(%dma_start3A_24 : memref<80xi32, #tpu.memory_space<hbm>>) target(%arg13 : memref<80xi32, #tpu.memory_space<vmem>>) target_semaphore(%arg21 : memref<!tpu.dma_semaphore, #tpu.memory_space<semaphore_mem>>)
    %mul3A_25 = arith.constant 160000 : i32
    %mul3A_26 = arith.muli %arg0, %mul3A_25 : i32
    %add3A_27 = arith.addi %mul3A_26, %mul3A_0 : i32
    %add3A_28 = arith.constant 80 : i32
    %add3A_29 = arith.addi %add3A_27, %add3A_28 : i32
    %dma_start3A_30 = arith.constant 0 : i32
    %dma_start3A_31 = tpu.memref_slice %arg2[%add3A_29, %dma_start3A_30] : memref<320000x128xf32, #tpu.memory_space<hbm>> -> memref<80x128xf32, #tpu.memory_space<hbm>>
    %dma_start3A_32 = arith.constant 0 : i32
    %dma_start3A_33 = tpu.memref_slice %arg2[%add3A_29, %dma_start3A_32] : memref<320000x128xf32, #tpu.memory_space<hbm>> -> memref<80x128xf32, #tpu.memory_space<hbm>>
    tpu.enqueue_dma source(%dma_start3A_33 : memref<80x128xf32, #tpu.memory_space<hbm>>) target(%arg10 : memref<80x128xf32, #tpu.memory_space<vmem>>) target_semaphore(%arg18 : memref<!tpu.dma_semaphore, #tpu.memory_space<semaphore_mem>>)
    %add3A_34 = arith.constant 80 : i32
    %add3A_35 = arith.addi %mul3A_0, %add3A_34 : i32
    %dma_start3A_36 = tpu.memref_slice %arg3[%add3A_35] : memref<160000xi32, #tpu.memory_space<hbm>> -> memref<80xi32, #tpu.memory_space<hbm>>
    %dma_start3A_37 = tpu.memref_slice %arg3[%add3A_35] : memref<160000xi32, #tpu.memory_space<hbm>> -> memref<80xi32, #tpu.memory_space<hbm>>
    tpu.enqueue_dma source(%dma_start3A_37 : memref<80xi32, #tpu.memory_space<hbm>>) target(%arg14 : memref<80xi32, #tpu.memory_space<vmem>>) target_semaphore(%arg22 : memref<!tpu.dma_semaphore, #tpu.memory_space<semaphore_mem>>)
    %scan3A = arith.constant 0 : i32
    %scan3A_38 = arith.constant 0 : i32
    %scan3A_39 = arith.constant 32 : i32
    %scan3A_40 = arith.addi %scan3A_38, %scan3A_39 : i32
    %scan3A_41 = arith.constant 1 : i32
    scf.for %scan3A_106 = %scan3A_38 to %scan3A_40 step %scan3A_41  : i32 {
      %mul3A_107 = arith.constant 4 : i32
      %mul3A_108 = arith.muli %scan3A_106, %mul3A_107 : i32
      %add3A_109 = arith.constant 0 : i32
      %add3A_110 = arith.addi %mul3A_108, %add3A_109 : i32
      %lt3A_111 = arith.constant 125 : i32
      %lt3A_112 = arith.cmpi slt, %add3A_110, %lt3A_111 : i32
      %convert_element_type3A = arith.extui %lt3A_112 : i1 to i32
      %cond3A = arith.constant 0 : i32
      %cond3A_113 = arith.cmpi ne, %convert_element_type3A, %cond3A : i32
      scf.if %cond3A_113 {
        %mul3A_141 = arith.constant 160000 : i32
        %mul3A_142 = arith.muli %arg0, %mul3A_141 : i32
        %add3A_143 = arith.addi %mul3A_142, %mul3A_0 : i32
        %mul3A_144 = arith.constant 80 : i32
        %mul3A_145 = arith.muli %add3A_110, %mul3A_144 : i32
        %add3A_146 = arith.addi %add3A_143, %mul3A_145 : i32
        %dma_wait3A_147 = arith.constant 0 : i32
        %dma_wait3A_148 = tpu.memref_slice %arg2[%add3A_146, %dma_wait3A_147] : memref<320000x128xf32, #tpu.memory_space<hbm>> -> memref<80x128xf32, #tpu.memory_space<hbm>>
        %dma_wait3A_149 = arith.constant 0 : i32
        %dma_wait3A_150 = tpu.memref_slice %arg2[%add3A_146, %dma_wait3A_149] : memref<320000x128xf32, #tpu.memory_space<hbm>> -> memref<80x128xf32, #tpu.memory_space<hbm>>
        tpu.wait_dma2 semaphore(%arg17 : memref<!tpu.dma_semaphore, #tpu.memory_space<semaphore_mem>>) src(%dma_wait3A_150 : memref<80x128xf32, #tpu.memory_space<hbm>>) dst(%arg9 : memref<80x128xf32, #tpu.memory_space<vmem>>)
        %mul3A_151 = arith.constant 80 : i32
        %mul3A_152 = arith.muli %add3A_110, %mul3A_151 : i32
        %add3A_153 = arith.addi %mul3A_0, %mul3A_152 : i32
        %dma_wait3A_154 = tpu.memref_slice %arg3[%add3A_153] : memref<160000xi32, #tpu.memory_space<hbm>> -> memref<80xi32, #tpu.memory_space<hbm>>
        %dma_wait3A_155 = tpu.memref_slice %arg3[%add3A_153] : memref<160000xi32, #tpu.memory_space<hbm>> -> memref<80xi32, #tpu.memory_space<hbm>>
        tpu.wait_dma2 semaphore(%arg21 : memref<!tpu.dma_semaphore, #tpu.memory_space<semaphore_mem>>) src(%dma_wait3A_155 : memref<80xi32, #tpu.memory_space<hbm>>) dst(%arg13 : memref<80xi32, #tpu.memory_space<vmem>>)
        %ge3A = arith.constant 2 : i32
        %ge3A_156 = arith.cmpi sge, %add3A_110, %ge3A : i32
        %convert_element_type3A_157 = arith.extui %ge3A_156 : i1 to i32
        %cond3A_158 = arith.constant 0 : i32
        %cond3A_159 = arith.cmpi ne, %convert_element_type3A_157, %cond3A_158 : i32
        scf.if %cond3A_159 {
          %dma_wait3A_170 = arith.constant 0 : i32
          %dma_wait3A_171 = arith.constant 0 : i32
          %dma_wait3A_172 = tpu.memref_slice %arg8[%dma_wait3A_170, %dma_wait3A_171] : memref<10000x128xf32, #tpu.memory_space<vmem_shared>> -> memref<10000x128xf32, #tpu.memory_space<vmem_shared>>
          tpu.wait_indirect_dma semaphore(%arg25 : memref<!tpu.dma_semaphore, #tpu.memory_space<semaphore_mem>>) src(%arg11 : memref<80x128xf32, #tpu.memory_space<vmem>>) dst(%dma_wait3A_172 : memref<10000x128xf32, #tpu.memory_space<vmem_shared>>)
        } else {
        }
        %add3A_160 = arith.constant 2 : i32
        %add3A_161 = arith.addi %add3A_110, %add3A_160 : i32
        %lt3A_162 = arith.constant 125 : i32
        %lt3A_163 = arith.cmpi slt, %add3A_161, %lt3A_162 : i32
        %convert_element_type3A_164 = arith.extui %lt3A_163 : i1 to i32
        %cond3A_165 = arith.constant 0 : i32
        %cond3A_166 = arith.cmpi ne, %convert_element_type3A_164, %cond3A_165 : i32
        scf.if %cond3A_166 {
          %add3A_170 = arith.constant 2 : i32
          %add3A_171 = arith.addi %add3A_110, %add3A_170 : i32
          %mul3A_172 = arith.constant 160000 : i32
          %mul3A_173 = arith.muli %arg0, %mul3A_172 : i32
          %add3A_174 = arith.addi %mul3A_173, %mul3A_0 : i32
          %mul3A_175 = arith.constant 80 : i32
          %mul3A_176 = arith.muli %add3A_171, %mul3A_175 : i32
          %add3A_177 = arith.addi %add3A_174, %mul3A_176 : i32
          %dma_start3A_178 = arith.constant 0 : i32
          %dma_start3A_179 = tpu.memref_slice %arg2[%add3A_177, %dma_start3A_178] : memref<320000x128xf32, #tpu.memory_space<hbm>> -> memref<80x128xf32, #tpu.memory_space<hbm>>
          %dma_start3A_180 = arith.constant 0 : i32
          %dma_start3A_181 = tpu.memref_slice %arg2[%add3A_177, %dma_start3A_180] : memref<320000x128xf32, #tpu.memory_space<hbm>> -> memref<80x128xf32, #tpu.memory_space<hbm>>
          tpu.enqueue_dma source(%dma_start3A_181 : memref<80x128xf32, #tpu.memory_space<hbm>>) target(%arg11 : memref<80x128xf32, #tpu.memory_space<vmem>>) target_semaphore(%arg19 : memref<!tpu.dma_semaphore, #tpu.memory_space<semaphore_mem>>)
          %add3A_182 = arith.constant 2 : i32
          %add3A_183 = arith.addi %add3A_110, %add3A_182 : i32
          %mul3A_184 = arith.constant 80 : i32
          %mul3A_185 = arith.muli %add3A_183, %mul3A_184 : i32
          %add3A_186 = arith.addi %mul3A_0, %mul3A_185 : i32
          %dma_start3A_187 = tpu.memref_slice %arg3[%add3A_186] : memref<160000xi32, #tpu.memory_space<hbm>> -> memref<80xi32, #tpu.memory_space<hbm>>
          %dma_start3A_188 = tpu.memref_slice %arg3[%add3A_186] : memref<160000xi32, #tpu.memory_space<hbm>> -> memref<80xi32, #tpu.memory_space<hbm>>
          tpu.enqueue_dma source(%dma_start3A_188 : memref<80xi32, #tpu.memory_space<hbm>>) target(%arg15 : memref<80xi32, #tpu.memory_space<vmem>>) target_semaphore(%arg23 : memref<!tpu.dma_semaphore, #tpu.memory_space<semaphore_mem>>)
        } else {
        }
        %dma_start3A_167 = arith.constant 0 : i32
        %dma_start3A_168 = arith.constant 0 : i32
        %dma_start3A_169 = tpu.memref_slice %arg8[%dma_start3A_167, %dma_start3A_168] : memref<10000x128xf32, #tpu.memory_space<vmem_shared>> -> memref<10000x128xf32, #tpu.memory_space<vmem_shared>>
        tpu.enqueue_indirect_dma source(%arg9 : memref<80x128xf32, #tpu.memory_space<vmem>>) target(%dma_start3A_169 : memref<10000x128xf32, #tpu.memory_space<vmem_shared>>) offsets(%arg13 : memref<80xi32, #tpu.memory_space<vmem>>) semaphore(%arg25 : memref<!tpu.dma_semaphore, #tpu.memory_space<semaphore_mem>>) {add = true}
      } else {
      }
      %mul3A_114 = arith.constant 4 : i32
      %mul3A_115 = arith.muli %scan3A_106, %mul3A_114 : i32
      %add3A_116 = arith.constant 1 : i32
      %add3A_117 = arith.addi %mul3A_115, %add3A_116 : i32
      %lt3A_118 = arith.constant 125 : i32
      %lt3A_119 = arith.cmpi slt, %add3A_117, %lt3A_118 : i32
      %convert_element_type3A_120 = arith.extui %lt3A_119 : i1 to i32
      %cond3A_121 = arith.constant 0 : i32
      %cond3A_122 = arith.cmpi ne, %convert_element_type3A_120, %cond3A_121 : i32
      scf.if %cond3A_122 {
        %mul3A_141 = arith.constant 160000 : i32
        %mul3A_142 = arith.muli %arg0, %mul3A_141 : i32
        %add3A_143 = arith.addi %mul3A_142, %mul3A_0 : i32
        %mul3A_144 = arith.constant 80 : i32
        %mul3A_145 = arith.muli %add3A_117, %mul3A_144 : i32
        %add3A_146 = arith.addi %add3A_143, %mul3A_145 : i32
        %dma_wait3A_147 = arith.constant 0 : i32
        %dma_wait3A_148 = tpu.memref_slice %arg2[%add3A_146, %dma_wait3A_147] : memref<320000x128xf32, #tpu.memory_space<hbm>> -> memref<80x128xf32, #tpu.memory_space<hbm>>
        %dma_wait3A_149 = arith.constant 0 : i32
        %dma_wait3A_150 = tpu.memref_slice %arg2[%add3A_146, %dma_wait3A_149] : memref<320000x128xf32, #tpu.memory_space<hbm>> -> memref<80x128xf32, #tpu.memory_space<hbm>>
        tpu.wait_dma2 semaphore(%arg18 : memref<!tpu.dma_semaphore, #tpu.memory_space<semaphore_mem>>) src(%dma_wait3A_150 : memref<80x128xf32, #tpu.memory_space<hbm>>) dst(%arg10 : memref<80x128xf32, #tpu.memory_space<vmem>>)
        %mul3A_151 = arith.constant 80 : i32
        %mul3A_152 = arith.muli %add3A_117, %mul3A_151 : i32
        %add3A_153 = arith.addi %mul3A_0, %mul3A_152 : i32
        %dma_wait3A_154 = tpu.memref_slice %arg3[%add3A_153] : memref<160000xi32, #tpu.memory_space<hbm>> -> memref<80xi32, #tpu.memory_space<hbm>>
        %dma_wait3A_155 = tpu.memref_slice %arg3[%add3A_153] : memref<160000xi32, #tpu.memory_space<hbm>> -> memref<80xi32, #tpu.memory_space<hbm>>
        tpu.wait_dma2 semaphore(%arg22 : memref<!tpu.dma_semaphore, #tpu.memory_space<semaphore_mem>>) src(%dma_wait3A_155 : memref<80xi32, #tpu.memory_space<hbm>>) dst(%arg14 : memref<80xi32, #tpu.memory_space<vmem>>)
        %ge3A = arith.constant 2 : i32
        %ge3A_156 = arith.cmpi sge, %add3A_117, %ge3A : i32
        %convert_element_type3A_157 = arith.extui %ge3A_156 : i1 to i32
        %cond3A_158 = arith.constant 0 : i32
        %cond3A_159 = arith.cmpi ne, %convert_element_type3A_157, %cond3A_158 : i32
        scf.if %cond3A_159 {
          %dma_wait3A_170 = arith.constant 0 : i32
          %dma_wait3A_171 = arith.constant 0 : i32
          %dma_wait3A_172 = tpu.memref_slice %arg8[%dma_wait3A_170, %dma_wait3A_171] : memref<10000x128xf32, #tpu.memory_space<vmem_shared>> -> memref<10000x128xf32, #tpu.memory_space<vmem_shared>>
          tpu.wait_indirect_dma semaphore(%arg26 : memref<!tpu.dma_semaphore, #tpu.memory_space<semaphore_mem>>) src(%arg12 : memref<80x128xf32, #tpu.memory_space<vmem>>) dst(%dma_wait3A_172 : memref<10000x128xf32, #tpu.memory_space<vmem_shared>>)
        } else {
        }
        %add3A_160 = arith.constant 2 : i32
        %add3A_161 = arith.addi %add3A_117, %add3A_160 : i32
        %lt3A_162 = arith.constant 125 : i32
        %lt3A_163 = arith.cmpi slt, %add3A_161, %lt3A_162 : i32
        %convert_element_type3A_164 = arith.extui %lt3A_163 : i1 to i32
        %cond3A_165 = arith.constant 0 : i32
        %cond3A_166 = arith.cmpi ne, %convert_element_type3A_164, %cond3A_165 : i32
        scf.if %cond3A_166 {
          %add3A_170 = arith.constant 2 : i32
          %add3A_171 = arith.addi %add3A_117, %add3A_170 : i32
          %mul3A_172 = arith.constant 160000 : i32
          %mul3A_173 = arith.muli %arg0, %mul3A_172 : i32
          %add3A_174 = arith.addi %mul3A_173, %mul3A_0 : i32
          %mul3A_175 = arith.constant 80 : i32
          %mul3A_176 = arith.muli %add3A_171, %mul3A_175 : i32
          %add3A_177 = arith.addi %add3A_174, %mul3A_176 : i32
          %dma_start3A_178 = arith.constant 0 : i32
          %dma_start3A_179 = tpu.memref_slice %arg2[%add3A_177, %dma_start3A_178] : memref<320000x128xf32, #tpu.memory_space<hbm>> -> memref<80x128xf32, #tpu.memory_space<hbm>>
          %dma_start3A_180 = arith.constant 0 : i32
          %dma_start3A_181 = tpu.memref_slice %arg2[%add3A_177, %dma_start3A_180] : memref<320000x128xf32, #tpu.memory_space<hbm>> -> memref<80x128xf32, #tpu.memory_space<hbm>>
          tpu.enqueue_dma source(%dma_start3A_181 : memref<80x128xf32, #tpu.memory_space<hbm>>) target(%arg12 : memref<80x128xf32, #tpu.memory_space<vmem>>) target_semaphore(%arg20 : memref<!tpu.dma_semaphore, #tpu.memory_space<semaphore_mem>>)
          %add3A_182 = arith.constant 2 : i32
          %add3A_183 = arith.addi %add3A_117, %add3A_182 : i32
          %mul3A_184 = arith.constant 80 : i32
          %mul3A_185 = arith.muli %add3A_183, %mul3A_184 : i32
          %add3A_186 = arith.addi %mul3A_0, %mul3A_185 : i32
          %dma_start3A_187 = tpu.memref_slice %arg3[%add3A_186] : memref<160000xi32, #tpu.memory_space<hbm>> -> memref<80xi32, #tpu.memory_space<hbm>>
          %dma_start3A_188 = tpu.memref_slice %arg3[%add3A_186] : memref<160000xi32, #tpu.memory_space<hbm>> -> memref<80xi32, #tpu.memory_space<hbm>>
          tpu.enqueue_dma source(%dma_start3A_188 : memref<80xi32, #tpu.memory_space<hbm>>) target(%arg16 : memref<80xi32, #tpu.memory_space<vmem>>) target_semaphore(%arg24 : memref<!tpu.dma_semaphore, #tpu.memory_space<semaphore_mem>>)
        } else {
        }
        %dma_start3A_167 = arith.constant 0 : i32
        %dma_start3A_168 = arith.constant 0 : i32
        %dma_start3A_169 = tpu.memref_slice %arg8[%dma_start3A_167, %dma_start3A_168] : memref<10000x128xf32, #tpu.memory_space<vmem_shared>> -> memref<10000x128xf32, #tpu.memory_space<vmem_shared>>
        tpu.enqueue_indirect_dma source(%arg10 : memref<80x128xf32, #tpu.memory_space<vmem>>) target(%dma_start3A_169 : memref<10000x128xf32, #tpu.memory_space<vmem_shared>>) offsets(%arg14 : memref<80xi32, #tpu.memory_space<vmem>>) semaphore(%arg26 : memref<!tpu.dma_semaphore, #tpu.memory_space<semaphore_mem>>) {add = true}
      } else {
      }
      %mul3A_123 = arith.constant 4 : i32
      %mul3A_124 = arith.muli %scan3A_106, %mul3A_123 : i32
      %add3A_125 = arith.constant 2 : i32
      %add3A_126 = arith.addi %mul3A_124, %add3A_125 : i32
      %lt3A_127 = arith.constant 125 : i32
      %lt3A_128 = arith.cmpi slt, %add3A_126, %lt3A_127 : i32
      %convert_element_type3A_129 = arith.extui %lt3A_128 : i1 to i32
      %cond3A_130 = arith.constant 0 : i32
      %cond3A_131 = arith.cmpi ne, %convert_element_type3A_129, %cond3A_130 : i32
      scf.if %cond3A_131 {
        %mul3A_141 = arith.constant 160000 : i32
        %mul3A_142 = arith.muli %arg0, %mul3A_141 : i32
        %add3A_143 = arith.addi %mul3A_142, %mul3A_0 : i32
        %mul3A_144 = arith.constant 80 : i32
        %mul3A_145 = arith.muli %add3A_126, %mul3A_144 : i32
        %add3A_146 = arith.addi %add3A_143, %mul3A_145 : i32
        %dma_wait3A_147 = arith.constant 0 : i32
        %dma_wait3A_148 = tpu.memref_slice %arg2[%add3A_146, %dma_wait3A_147] : memref<320000x128xf32, #tpu.memory_space<hbm>> -> memref<80x128xf32, #tpu.memory_space<hbm>>
        %dma_wait3A_149 = arith.constant 0 : i32
        %dma_wait3A_150 = tpu.memref_slice %arg2[%add3A_146, %dma_wait3A_149] : memref<320000x128xf32, #tpu.memory_space<hbm>> -> memref<80x128xf32, #tpu.memory_space<hbm>>
        tpu.wait_dma2 semaphore(%arg19 : memref<!tpu.dma_semaphore, #tpu.memory_space<semaphore_mem>>) src(%dma_wait3A_150 : memref<80x128xf32, #tpu.memory_space<hbm>>) dst(%arg11 : memref<80x128xf32, #tpu.memory_space<vmem>>)
        %mul3A_151 = arith.constant 80 : i32
        %mul3A_152 = arith.muli %add3A_126, %mul3A_151 : i32
        %add3A_153 = arith.addi %mul3A_0, %mul3A_152 : i32
        %dma_wait3A_154 = tpu.memref_slice %arg3[%add3A_153] : memref<160000xi32, #tpu.memory_space<hbm>> -> memref<80xi32, #tpu.memory_space<hbm>>
        %dma_wait3A_155 = tpu.memref_slice %arg3[%add3A_153] : memref<160000xi32, #tpu.memory_space<hbm>> -> memref<80xi32, #tpu.memory_space<hbm>>
        tpu.wait_dma2 semaphore(%arg23 : memref<!tpu.dma_semaphore, #tpu.memory_space<semaphore_mem>>) src(%dma_wait3A_155 : memref<80xi32, #tpu.memory_space<hbm>>) dst(%arg15 : memref<80xi32, #tpu.memory_space<vmem>>)
        %ge3A = arith.constant 2 : i32
        %ge3A_156 = arith.cmpi sge, %add3A_126, %ge3A : i32
        %convert_element_type3A_157 = arith.extui %ge3A_156 : i1 to i32
        %cond3A_158 = arith.constant 0 : i32
        %cond3A_159 = arith.cmpi ne, %convert_element_type3A_157, %cond3A_158 : i32
        scf.if %cond3A_159 {
          %dma_wait3A_170 = arith.constant 0 : i32
          %dma_wait3A_171 = arith.constant 0 : i32
          %dma_wait3A_172 = tpu.memref_slice %arg8[%dma_wait3A_170, %dma_wait3A_171] : memref<10000x128xf32, #tpu.memory_space<vmem_shared>> -> memref<10000x128xf32, #tpu.memory_space<vmem_shared>>
          tpu.wait_indirect_dma semaphore(%arg25 : memref<!tpu.dma_semaphore, #tpu.memory_space<semaphore_mem>>) src(%arg9 : memref<80x128xf32, #tpu.memory_space<vmem>>) dst(%dma_wait3A_172 : memref<10000x128xf32, #tpu.memory_space<vmem_shared>>)
        } else {
        }
        %add3A_160 = arith.constant 2 : i32
        %add3A_161 = arith.addi %add3A_126, %add3A_160 : i32
        %lt3A_162 = arith.constant 125 : i32
        %lt3A_163 = arith.cmpi slt, %add3A_161, %lt3A_162 : i32
        %convert_element_type3A_164 = arith.extui %lt3A_163 : i1 to i32
        %cond3A_165 = arith.constant 0 : i32
        %cond3A_166 = arith.cmpi ne, %convert_element_type3A_164, %cond3A_165 : i32
        scf.if %cond3A_166 {
          %add3A_170 = arith.constant 2 : i32
          %add3A_171 = arith.addi %add3A_126, %add3A_170 : i32
          %mul3A_172 = arith.constant 160000 : i32
          %mul3A_173 = arith.muli %arg0, %mul3A_172 : i32
          %add3A_174 = arith.addi %mul3A_173, %mul3A_0 : i32
          %mul3A_175 = arith.constant 80 : i32
          %mul3A_176 = arith.muli %add3A_171, %mul3A_175 : i32
          %add3A_177 = arith.addi %add3A_174, %mul3A_176 : i32
          %dma_start3A_178 = arith.constant 0 : i32
          %dma_start3A_179 = tpu.memref_slice %arg2[%add3A_177, %dma_start3A_178] : memref<320000x128xf32, #tpu.memory_space<hbm>> -> memref<80x128xf32, #tpu.memory_space<hbm>>
          %dma_start3A_180 = arith.constant 0 : i32
          %dma_start3A_181 = tpu.memref_slice %arg2[%add3A_177, %dma_start3A_180] : memref<320000x128xf32, #tpu.memory_space<hbm>> -> memref<80x128xf32, #tpu.memory_space<hbm>>
          tpu.enqueue_dma source(%dma_start3A_181 : memref<80x128xf32, #tpu.memory_space<hbm>>) target(%arg9 : memref<80x128xf32, #tpu.memory_space<vmem>>) target_semaphore(%arg17 : memref<!tpu.dma_semaphore, #tpu.memory_space<semaphore_mem>>)
          %add3A_182 = arith.constant 2 : i32
          %add3A_183 = arith.addi %add3A_126, %add3A_182 : i32
          %mul3A_184 = arith.constant 80 : i32
          %mul3A_185 = arith.muli %add3A_183, %mul3A_184 : i32
          %add3A_186 = arith.addi %mul3A_0, %mul3A_185 : i32
          %dma_start3A_187 = tpu.memref_slice %arg3[%add3A_186] : memref<160000xi32, #tpu.memory_space<hbm>> -> memref<80xi32, #tpu.memory_space<hbm>>
          %dma_start3A_188 = tpu.memref_slice %arg3[%add3A_186] : memref<160000xi32, #tpu.memory_space<hbm>> -> memref<80xi32, #tpu.memory_space<hbm>>
          tpu.enqueue_dma source(%dma_start3A_188 : memref<80xi32, #tpu.memory_space<hbm>>) target(%arg13 : memref<80xi32, #tpu.memory_space<vmem>>) target_semaphore(%arg21 : memref<!tpu.dma_semaphore, #tpu.memory_space<semaphore_mem>>)
        } else {
        }
        %dma_start3A_167 = arith.constant 0 : i32
        %dma_start3A_168 = arith.constant 0 : i32
        %dma_start3A_169 = tpu.memref_slice %arg8[%dma_start3A_167, %dma_start3A_168] : memref<10000x128xf32, #tpu.memory_space<vmem_shared>> -> memref<10000x128xf32, #tpu.memory_space<vmem_shared>>
        tpu.enqueue_indirect_dma source(%arg11 : memref<80x128xf32, #tpu.memory_space<vmem>>) target(%dma_start3A_169 : memref<10000x128xf32, #tpu.memory_space<vmem_shared>>) offsets(%arg15 : memref<80xi32, #tpu.memory_space<vmem>>) semaphore(%arg25 : memref<!tpu.dma_semaphore, #tpu.memory_space<semaphore_mem>>) {add = true}
      } else {
      }
      %mul3A_132 = arith.constant 4 : i32
      %mul3A_133 = arith.muli %scan3A_106, %mul3A_132 : i32
      %add3A_134 = arith.constant 3 : i32
      %add3A_135 = arith.addi %mul3A_133, %add3A_134 : i32
      %lt3A_136 = arith.constant 125 : i32
      %lt3A_137 = arith.cmpi slt, %add3A_135, %lt3A_136 : i32
      %convert_element_type3A_138 = arith.extui %lt3A_137 : i1 to i32
      %cond3A_139 = arith.constant 0 : i32
      %cond3A_140 = arith.cmpi ne, %convert_element_type3A_138, %cond3A_139 : i32
      scf.if %cond3A_140 {
        %mul3A_141 = arith.constant 160000 : i32
        %mul3A_142 = arith.muli %arg0, %mul3A_141 : i32
        %add3A_143 = arith.addi %mul3A_142, %mul3A_0 : i32
        %mul3A_144 = arith.constant 80 : i32
        %mul3A_145 = arith.muli %add3A_135, %mul3A_144 : i32
        %add3A_146 = arith.addi %add3A_143, %mul3A_145 : i32
        %dma_wait3A_147 = arith.constant 0 : i32
        %dma_wait3A_148 = tpu.memref_slice %arg2[%add3A_146, %dma_wait3A_147] : memref<320000x128xf32, #tpu.memory_space<hbm>> -> memref<80x128xf32, #tpu.memory_space<hbm>>
        %dma_wait3A_149 = arith.constant 0 : i32
        %dma_wait3A_150 = tpu.memref_slice %arg2[%add3A_146, %dma_wait3A_149] : memref<320000x128xf32, #tpu.memory_space<hbm>> -> memref<80x128xf32, #tpu.memory_space<hbm>>
        tpu.wait_dma2 semaphore(%arg20 : memref<!tpu.dma_semaphore, #tpu.memory_space<semaphore_mem>>) src(%dma_wait3A_150 : memref<80x128xf32, #tpu.memory_space<hbm>>) dst(%arg12 : memref<80x128xf32, #tpu.memory_space<vmem>>)
        %mul3A_151 = arith.constant 80 : i32
        %mul3A_152 = arith.muli %add3A_135, %mul3A_151 : i32
        %add3A_153 = arith.addi %mul3A_0, %mul3A_152 : i32
        %dma_wait3A_154 = tpu.memref_slice %arg3[%add3A_153] : memref<160000xi32, #tpu.memory_space<hbm>> -> memref<80xi32, #tpu.memory_space<hbm>>
        %dma_wait3A_155 = tpu.memref_slice %arg3[%add3A_153] : memref<160000xi32, #tpu.memory_space<hbm>> -> memref<80xi32, #tpu.memory_space<hbm>>
        tpu.wait_dma2 semaphore(%arg24 : memref<!tpu.dma_semaphore, #tpu.memory_space<semaphore_mem>>) src(%dma_wait3A_155 : memref<80xi32, #tpu.memory_space<hbm>>) dst(%arg16 : memref<80xi32, #tpu.memory_space<vmem>>)
        %ge3A = arith.constant 2 : i32
        %ge3A_156 = arith.cmpi sge, %add3A_135, %ge3A : i32
        %convert_element_type3A_157 = arith.extui %ge3A_156 : i1 to i32
        %cond3A_158 = arith.constant 0 : i32
        %cond3A_159 = arith.cmpi ne, %convert_element_type3A_157, %cond3A_158 : i32
        scf.if %cond3A_159 {
          %dma_wait3A_170 = arith.constant 0 : i32
          %dma_wait3A_171 = arith.constant 0 : i32
          %dma_wait3A_172 = tpu.memref_slice %arg8[%dma_wait3A_170, %dma_wait3A_171] : memref<10000x128xf32, #tpu.memory_space<vmem_shared>> -> memref<10000x128xf32, #tpu.memory_space<vmem_shared>>
          tpu.wait_indirect_dma semaphore(%arg26 : memref<!tpu.dma_semaphore, #tpu.memory_space<semaphore_mem>>) src(%arg10 : memref<80x128xf32, #tpu.memory_space<vmem>>) dst(%dma_wait3A_172 : memref<10000x128xf32, #tpu.memory_space<vmem_shared>>)
        } else {
        }
        %add3A_160 = arith.constant 2 : i32
        %add3A_161 = arith.addi %add3A_135, %add3A_160 : i32
        %lt3A_162 = arith.constant 125 : i32
        %lt3A_163 = arith.cmpi slt, %add3A_161, %lt3A_162 : i32
        %convert_element_type3A_164 = arith.extui %lt3A_163 : i1 to i32
        %cond3A_165 = arith.constant 0 : i32
        %cond3A_166 = arith.cmpi ne, %convert_element_type3A_164, %cond3A_165 : i32
        scf.if %cond3A_166 {
          %add3A_170 = arith.constant 2 : i32
          %add3A_171 = arith.addi %add3A_135, %add3A_170 : i32
          %mul3A_172 = arith.constant 160000 : i32
          %mul3A_173 = arith.muli %arg0, %mul3A_172 : i32
          %add3A_174 = arith.addi %mul3A_173, %mul3A_0 : i32
          %mul3A_175 = arith.constant 80 : i32
          %mul3A_176 = arith.muli %add3A_171, %mul3A_175 : i32
          %add3A_177 = arith.addi %add3A_174, %mul3A_176 : i32
          %dma_start3A_178 = arith.constant 0 : i32
          %dma_start3A_179 = tpu.memref_slice %arg2[%add3A_177, %dma_start3A_178] : memref<320000x128xf32, #tpu.memory_space<hbm>> -> memref<80x128xf32, #tpu.memory_space<hbm>>
          %dma_start3A_180 = arith.constant 0 : i32
          %dma_start3A_181 = tpu.memref_slice %arg2[%add3A_177, %dma_start3A_180] : memref<320000x128xf32, #tpu.memory_space<hbm>> -> memref<80x128xf32, #tpu.memory_space<hbm>>
          tpu.enqueue_dma source(%dma_start3A_181 : memref<80x128xf32, #tpu.memory_space<hbm>>) target(%arg10 : memref<80x128xf32, #tpu.memory_space<vmem>>) target_semaphore(%arg18 : memref<!tpu.dma_semaphore, #tpu.memory_space<semaphore_mem>>)
          %add3A_182 = arith.constant 2 : i32
          %add3A_183 = arith.addi %add3A_135, %add3A_182 : i32
          %mul3A_184 = arith.constant 80 : i32
          %mul3A_185 = arith.muli %add3A_183, %mul3A_184 : i32
          %add3A_186 = arith.addi %mul3A_0, %mul3A_185 : i32
          %dma_start3A_187 = tpu.memref_slice %arg3[%add3A_186] : memref<160000xi32, #tpu.memory_space<hbm>> -> memref<80xi32, #tpu.memory_space<hbm>>
          %dma_start3A_188 = tpu.memref_slice %arg3[%add3A_186] : memref<160000xi32, #tpu.memory_space<hbm>> -> memref<80xi32, #tpu.memory_space<hbm>>
          tpu.enqueue_dma source(%dma_start3A_188 : memref<80xi32, #tpu.memory_space<hbm>>) target(%arg14 : memref<80xi32, #tpu.memory_space<vmem>>) target_semaphore(%arg22 : memref<!tpu.dma_semaphore, #tpu.memory_space<semaphore_mem>>)
        } else {
        }
        %dma_start3A_167 = arith.constant 0 : i32
        %dma_start3A_168 = arith.constant 0 : i32
        %dma_start3A_169 = tpu.memref_slice %arg8[%dma_start3A_167, %dma_start3A_168] : memref<10000x128xf32, #tpu.memory_space<vmem_shared>> -> memref<10000x128xf32, #tpu.memory_space<vmem_shared>>
        tpu.enqueue_indirect_dma source(%arg12 : memref<80x128xf32, #tpu.memory_space<vmem>>) target(%dma_start3A_169 : memref<10000x128xf32, #tpu.memory_space<vmem_shared>>) offsets(%arg16 : memref<80xi32, #tpu.memory_space<vmem>>) semaphore(%arg26 : memref<!tpu.dma_semaphore, #tpu.memory_space<semaphore_mem>>) {add = true}
      } else {
      }
    }
    %scan3A_42 = arith.constant 32 : i32
    %dma_wait3A = arith.constant 0 : i32
    %dma_wait3A_43 = arith.constant 0 : i32
    %dma_wait3A_44 = tpu.memref_slice %arg8[%dma_wait3A, %dma_wait3A_43] : memref<10000x128xf32, #tpu.memory_space<vmem_shared>> -> memref<10000x128xf32, #tpu.memory_space<vmem_shared>>
    tpu.wait_indirect_dma semaphore(%arg26 : memref<!tpu.dma_semaphore, #tpu.memory_space<semaphore_mem>>) src(%arg12 : memref<80x128xf32, #tpu.memory_space<vmem>>) dst(%dma_wait3A_44 : memref<10000x128xf32, #tpu.memory_space<vmem_shared>>)
    %dma_wait3A_45 = arith.constant 0 : i32
    %dma_wait3A_46 = arith.constant 0 : i32
    %dma_wait3A_47 = tpu.memref_slice %arg8[%dma_wait3A_45, %dma_wait3A_46] : memref<10000x128xf32, #tpu.memory_space<vmem_shared>> -> memref<10000x128xf32, #tpu.memory_space<vmem_shared>>
    tpu.wait_indirect_dma semaphore(%arg25 : memref<!tpu.dma_semaphore, #tpu.memory_space<semaphore_mem>>) src(%arg9 : memref<80x128xf32, #tpu.memory_space<vmem>>) dst(%dma_wait3A_47 : memref<10000x128xf32, #tpu.memory_space<vmem_shared>>)
    "tpu.trace_stop"() : () -> ()
    %barrier3A_48 = arith.constant 0 : index
    tpu.barrier barrier_id(%barrier3A_48)
    "tpu.trace_start"() <{level = 10 : i32, message = "sc_gather"}> : () -> ()
    %add3A_49 = arith.constant 0 : i32
    %add3A_50 = arith.addi %mul3A_0, %add3A_49 : i32
    %dma_start3A_51 = tpu.memref_slice %arg4[%add3A_50] : memref<160000xi32, #tpu.memory_space<hbm>> -> memref<80xi32, #tpu.memory_space<hbm>>
    %dma_start3A_52 = tpu.memref_slice %arg4[%add3A_50] : memref<160000xi32, #tpu.memory_space<hbm>> -> memref<80xi32, #tpu.memory_space<hbm>>
    tpu.enqueue_dma source(%dma_start3A_52 : memref<80xi32, #tpu.memory_space<hbm>>) target(%arg13 : memref<80xi32, #tpu.memory_space<vmem>>) target_semaphore(%arg21 : memref<!tpu.dma_semaphore, #tpu.memory_space<semaphore_mem>>)
    %mul3A_53 = arith.constant 160000 : i32
    %mul3A_54 = arith.muli %arg0, %mul3A_53 : i32
    %add3A_55 = arith.addi %mul3A_54, %mul3A_0 : i32
    %add3A_56 = arith.constant 0 : i32
    %add3A_57 = arith.addi %add3A_55, %add3A_56 : i32
    %dma_start3A_58 = tpu.memref_slice %arg5[%add3A_57] : memref<320000xi32, #tpu.memory_space<hbm>> -> memref<80xi32, #tpu.memory_space<hbm>>
    %dma_start3A_59 = tpu.memref_slice %arg5[%add3A_57] : memref<320000xi32, #tpu.memory_space<hbm>> -> memref<80xi32, #tpu.memory_space<hbm>>
    tpu.enqueue_dma source(%dma_start3A_59 : memref<80xi32, #tpu.memory_space<hbm>>) target(%arg15 : memref<80xi32, #tpu.memory_space<vmem>>) target_semaphore(%arg23 : memref<!tpu.dma_semaphore, #tpu.memory_space<semaphore_mem>>)
    %add3A_60 = arith.constant 0 : i32
    %add3A_61 = arith.addi %mul3A_0, %add3A_60 : i32
    %dma_wait3A_62 = tpu.memref_slice %arg4[%add3A_61] : memref<160000xi32, #tpu.memory_space<hbm>> -> memref<80xi32, #tpu.memory_space<hbm>>
    %dma_wait3A_63 = tpu.memref_slice %arg4[%add3A_61] : memref<160000xi32, #tpu.memory_space<hbm>> -> memref<80xi32, #tpu.memory_space<hbm>>
    tpu.wait_dma2 semaphore(%arg21 : memref<!tpu.dma_semaphore, #tpu.memory_space<semaphore_mem>>) src(%dma_wait3A_63 : memref<80xi32, #tpu.memory_space<hbm>>) dst(%arg13 : memref<80xi32, #tpu.memory_space<vmem>>)
    %mul3A_64 = arith.constant 160000 : i32
    %mul3A_65 = arith.muli %arg0, %mul3A_64 : i32
    %add3A_66 = arith.addi %mul3A_65, %mul3A_0 : i32
    %add3A_67 = arith.constant 0 : i32
    %add3A_68 = arith.addi %add3A_66, %add3A_67 : i32
    %dma_wait3A_69 = tpu.memref_slice %arg5[%add3A_68] : memref<320000xi32, #tpu.memory_space<hbm>> -> memref<80xi32, #tpu.memory_space<hbm>>
    %dma_wait3A_70 = tpu.memref_slice %arg5[%add3A_68] : memref<320000xi32, #tpu.memory_space<hbm>> -> memref<80xi32, #tpu.memory_space<hbm>>
    tpu.wait_dma2 semaphore(%arg23 : memref<!tpu.dma_semaphore, #tpu.memory_space<semaphore_mem>>) src(%dma_wait3A_70 : memref<80xi32, #tpu.memory_space<hbm>>) dst(%arg15 : memref<80xi32, #tpu.memory_space<vmem>>)
    %dma_start3A_71 = arith.constant 0 : i32
    %dma_start3A_72 = arith.constant 0 : i32
    %dma_start3A_73 = tpu.memref_slice %arg8[%dma_start3A_71, %dma_start3A_72] : memref<10000x128xf32, #tpu.memory_space<vmem_shared>> -> memref<10000x128xf32, #tpu.memory_space<vmem_shared>>
    tpu.enqueue_indirect_dma source(%dma_start3A_73 : memref<10000x128xf32, #tpu.memory_space<vmem_shared>>) target(%arg9 : memref<80x128xf32, #tpu.memory_space<vmem>>) offsets(%arg13 : memref<80xi32, #tpu.memory_space<vmem>>) semaphore(%arg17 : memref<!tpu.dma_semaphore, #tpu.memory_space<semaphore_mem>>)
    %dma_start3A_74 = arith.constant 0 : i32
    %dma_start3A_75 = arith.constant 0 : i32
    %dma_start3A_76 = tpu.memref_slice %arg2[%dma_start3A_74, %dma_start3A_75] : memref<320000x128xf32, #tpu.memory_space<hbm>> -> memref<320000x128xf32, #tpu.memory_space<hbm>>
    tpu.enqueue_indirect_dma source(%dma_start3A_76 : memref<320000x128xf32, #tpu.memory_space<hbm>>) target(%arg11 : memref<80x128xf32, #tpu.memory_space<vmem>>) offsets(%arg15 : memref<80xi32, #tpu.memory_space<vmem>>) semaphore(%arg19 : memref<!tpu.dma_semaphore, #tpu.memory_space<semaphore_mem>>)
    %add3A_77 = arith.constant 80 : i32
    %add3A_78 = arith.addi %mul3A_0, %add3A_77 : i32
    %dma_start3A_79 = tpu.memref_slice %arg4[%add3A_78] : memref<160000xi32, #tpu.memory_space<hbm>> -> memref<80xi32, #tpu.memory_space<hbm>>
    %dma_start3A_80 = tpu.memref_slice %arg4[%add3A_78] : memref<160000xi32, #tpu.memory_space<hbm>> -> memref<80xi32, #tpu.memory_space<hbm>>
    tpu.enqueue_dma source(%dma_start3A_80 : memref<80xi32, #tpu.memory_space<hbm>>) target(%arg14 : memref<80xi32, #tpu.memory_space<vmem>>) target_semaphore(%arg22 : memref<!tpu.dma_semaphore, #tpu.memory_space<semaphore_mem>>)
    %mul3A_81 = arith.constant 160000 : i32
    %mul3A_82 = arith.muli %arg0, %mul3A_81 : i32
    %add3A_83 = arith.addi %mul3A_82, %mul3A_0 : i32
    %add3A_84 = arith.constant 80 : i32
    %add3A_85 = arith.addi %add3A_83, %add3A_84 : i32
    %dma_start3A_86 = tpu.memref_slice %arg5[%add3A_85] : memref<320000xi32, #tpu.memory_space<hbm>> -> memref<80xi32, #tpu.memory_space<hbm>>
    %dma_start3A_87 = tpu.memref_slice %arg5[%add3A_85] : memref<320000xi32, #tpu.memory_space<hbm>> -> memref<80xi32, #tpu.memory_space<hbm>>
    tpu.enqueue_dma source(%dma_start3A_87 : memref<80xi32, #tpu.memory_space<hbm>>) target(%arg16 : memref<80xi32, #tpu.memory_space<vmem>>) target_semaphore(%arg24 : memref<!tpu.dma_semaphore, #tpu.memory_space<semaphore_mem>>)
    %scan3A_88 = arith.constant 0 : i32
    %scan3A_89 = arith.constant 0 : i32
    %scan3A_90 = arith.constant 63 : i32
    %scan3A_91 = arith.addi %scan3A_89, %scan3A_90 : i32
    %scan3A_92 = arith.constant 1 : i32
    scf.for %scan3A_106 = %scan3A_89 to %scan3A_91 step %scan3A_92  : i32 {
      %mul3A_107 = arith.constant 2 : i32
      %mul3A_108 = arith.muli %scan3A_106, %mul3A_107 : i32
      %add3A_109 = arith.constant 0 : i32
      %add3A_110 = arith.addi %mul3A_108, %add3A_109 : i32
      %lt3A_111 = arith.constant 125 : i32
      %lt3A_112 = arith.cmpi slt, %add3A_110, %lt3A_111 : i32
      %convert_element_type3A = arith.extui %lt3A_112 : i1 to i32
      %cond3A = arith.constant 0 : i32
      %cond3A_113 = arith.cmpi ne, %convert_element_type3A, %cond3A : i32
      scf.if %cond3A_113 {
        %add3A_123 = arith.constant 1 : i32
        %add3A_124 = arith.addi %add3A_110, %add3A_123 : i32
        %lt3A_125 = arith.constant 125 : i32
        %lt3A_126 = arith.cmpi slt, %add3A_124, %lt3A_125 : i32
        %convert_element_type3A_127 = arith.extui %lt3A_126 : i1 to i32
        %cond3A_128 = arith.constant 0 : i32
        %cond3A_129 = arith.cmpi ne, %convert_element_type3A_127, %cond3A_128 : i32
        scf.if %cond3A_129 {
          %add3A_156 = arith.constant 1 : i32
          %add3A_157 = arith.addi %add3A_110, %add3A_156 : i32
          %mul3A_158 = arith.constant 80 : i32
          %mul3A_159 = arith.muli %add3A_157, %mul3A_158 : i32
          %add3A_160 = arith.addi %mul3A_0, %mul3A_159 : i32
          %dma_wait3A_161 = tpu.memref_slice %arg4[%add3A_160] : memref<160000xi32, #tpu.memory_space<hbm>> -> memref<80xi32, #tpu.memory_space<hbm>>
          %dma_wait3A_162 = tpu.memref_slice %arg4[%add3A_160] : memref<160000xi32, #tpu.memory_space<hbm>> -> memref<80xi32, #tpu.memory_space<hbm>>
          tpu.wait_dma2 semaphore(%arg22 : memref<!tpu.dma_semaphore, #tpu.memory_space<semaphore_mem>>) src(%dma_wait3A_162 : memref<80xi32, #tpu.memory_space<hbm>>) dst(%arg14 : memref<80xi32, #tpu.memory_space<vmem>>)
          %add3A_163 = arith.constant 1 : i32
          %add3A_164 = arith.addi %add3A_110, %add3A_163 : i32
          %mul3A_165 = arith.constant 160000 : i32
          %mul3A_166 = arith.muli %arg0, %mul3A_165 : i32
          %add3A_167 = arith.addi %mul3A_166, %mul3A_0 : i32
          %mul3A_168 = arith.constant 80 : i32
          %mul3A_169 = arith.muli %add3A_164, %mul3A_168 : i32
          %add3A_170 = arith.addi %add3A_167, %mul3A_169 : i32
          %dma_wait3A_171 = tpu.memref_slice %arg5[%add3A_170] : memref<320000xi32, #tpu.memory_space<hbm>> -> memref<80xi32, #tpu.memory_space<hbm>>
          %dma_wait3A_172 = tpu.memref_slice %arg5[%add3A_170] : memref<320000xi32, #tpu.memory_space<hbm>> -> memref<80xi32, #tpu.memory_space<hbm>>
          tpu.wait_dma2 semaphore(%arg24 : memref<!tpu.dma_semaphore, #tpu.memory_space<semaphore_mem>>) src(%dma_wait3A_172 : memref<80xi32, #tpu.memory_space<hbm>>) dst(%arg16 : memref<80xi32, #tpu.memory_space<vmem>>)
          %ge3A = arith.constant 1 : i32
          %ge3A_173 = arith.cmpi sge, %add3A_110, %ge3A : i32
          %convert_element_type3A_174 = arith.extui %ge3A_173 : i1 to i32
          %cond3A_175 = arith.constant 0 : i32
          %cond3A_176 = arith.cmpi ne, %convert_element_type3A_174, %cond3A_175 : i32
          scf.if %cond3A_176 {
            %sub3A = arith.constant 1 : i32
            %sub3A_183 = arith.subi %add3A_110, %sub3A : i32
            %mul3A_184 = arith.constant 80 : i32
            %mul3A_185 = arith.muli %sub3A_183, %mul3A_184 : i32
            %add3A_186 = arith.addi %mul3A_0, %mul3A_185 : i32
            %mul3A_187 = arith.constant 128 : i32
            %mul3A_188 = arith.muli %arg0, %mul3A_187 : i32
            %dma_wait3A_189 = tpu.memref_slice %arg7[%add3A_186, %mul3A_188] : memref<160000x256xf32, #tpu.memory_space<hbm>> -> memref<80x128xf32, #tpu.memory_space<hbm>>
            %dma_wait3A_190 = tpu.memref_slice %arg7[%add3A_186, %mul3A_188] : memref<160000x256xf32, #tpu.memory_space<hbm>> -> memref<80x128xf32, #tpu.memory_space<hbm>>
            tpu.wait_dma2 semaphore(%arg26 : memref<!tpu.dma_semaphore, #tpu.memory_space<semaphore_mem>>) src(%arg10 : memref<80x128xf32, #tpu.memory_space<vmem>>) dst(%dma_wait3A_190 : memref<80x128xf32, #tpu.memory_space<hbm>>)
          } else {
          }
          %dma_start3A_177 = arith.constant 0 : i32
          %dma_start3A_178 = arith.constant 0 : i32
          %dma_start3A_179 = tpu.memref_slice %arg8[%dma_start3A_177, %dma_start3A_178] : memref<10000x128xf32, #tpu.memory_space<vmem_shared>> -> memref<10000x128xf32, #tpu.memory_space<vmem_shared>>
          tpu.enqueue_indirect_dma source(%dma_start3A_179 : memref<10000x128xf32, #tpu.memory_space<vmem_shared>>) target(%arg10 : memref<80x128xf32, #tpu.memory_space<vmem>>) offsets(%arg14 : memref<80xi32, #tpu.memory_space<vmem>>) semaphore(%arg18 : memref<!tpu.dma_semaphore, #tpu.memory_space<semaphore_mem>>)
          %dma_start3A_180 = arith.constant 0 : i32
          %dma_start3A_181 = arith.constant 0 : i32
          %dma_start3A_182 = tpu.memref_slice %arg2[%dma_start3A_180, %dma_start3A_181] : memref<320000x128xf32, #tpu.memory_space<hbm>> -> memref<320000x128xf32, #tpu.memory_space<hbm>>
          tpu.enqueue_indirect_dma source(%dma_start3A_182 : memref<320000x128xf32, #tpu.memory_space<hbm>>) target(%arg12 : memref<80x128xf32, #tpu.memory_space<vmem>>) offsets(%arg16 : memref<80xi32, #tpu.memory_space<vmem>>) semaphore(%arg20 : memref<!tpu.dma_semaphore, #tpu.memory_space<semaphore_mem>>)
        } else {
        }
        %dma_wait3A_130 = arith.constant 0 : i32
        %dma_wait3A_131 = arith.constant 0 : i32
        %dma_wait3A_132 = tpu.memref_slice %arg8[%dma_wait3A_130, %dma_wait3A_131] : memref<10000x128xf32, #tpu.memory_space<vmem_shared>> -> memref<10000x128xf32, #tpu.memory_space<vmem_shared>>
        tpu.wait_indirect_dma semaphore(%arg17 : memref<!tpu.dma_semaphore, #tpu.memory_space<semaphore_mem>>) src(%dma_wait3A_132 : memref<10000x128xf32, #tpu.memory_space<vmem_shared>>) dst(%arg9 : memref<80x128xf32, #tpu.memory_space<vmem>>)
        %dma_wait3A_133 = arith.constant 0 : i32
        %dma_wait3A_134 = arith.constant 0 : i32
        %dma_wait3A_135 = tpu.memref_slice %arg2[%dma_wait3A_133, %dma_wait3A_134] : memref<320000x128xf32, #tpu.memory_space<hbm>> -> memref<320000x128xf32, #tpu.memory_space<hbm>>
        tpu.wait_indirect_dma semaphore(%arg19 : memref<!tpu.dma_semaphore, #tpu.memory_space<semaphore_mem>>) src(%dma_wait3A_135 : memref<320000x128xf32, #tpu.memory_space<hbm>>) dst(%arg11 : memref<80x128xf32, #tpu.memory_space<vmem>>)
        %add3A_136 = arith.constant 2 : i32
        %add3A_137 = arith.addi %add3A_110, %add3A_136 : i32
        %lt3A_138 = arith.constant 125 : i32
        %lt3A_139 = arith.cmpi slt, %add3A_137, %lt3A_138 : i32
        %convert_element_type3A_140 = arith.extui %lt3A_139 : i1 to i32
        %cond3A_141 = arith.constant 0 : i32
        %cond3A_142 = arith.cmpi ne, %convert_element_type3A_140, %cond3A_141 : i32
        scf.if %cond3A_142 {
          %add3A_156 = arith.constant 2 : i32
          %add3A_157 = arith.addi %add3A_110, %add3A_156 : i32
          %mul3A_158 = arith.constant 80 : i32
          %mul3A_159 = arith.muli %add3A_157, %mul3A_158 : i32
          %add3A_160 = arith.addi %mul3A_0, %mul3A_159 : i32
          %dma_start3A_161 = tpu.memref_slice %arg4[%add3A_160] : memref<160000xi32, #tpu.memory_space<hbm>> -> memref<80xi32, #tpu.memory_space<hbm>>
          %dma_start3A_162 = tpu.memref_slice %arg4[%add3A_160] : memref<160000xi32, #tpu.memory_space<hbm>> -> memref<80xi32, #tpu.memory_space<hbm>>
          tpu.enqueue_dma source(%dma_start3A_162 : memref<80xi32, #tpu.memory_space<hbm>>) target(%arg13 : memref<80xi32, #tpu.memory_space<vmem>>) target_semaphore(%arg21 : memref<!tpu.dma_semaphore, #tpu.memory_space<semaphore_mem>>)
          %add3A_163 = arith.constant 2 : i32
          %add3A_164 = arith.addi %add3A_110, %add3A_163 : i32
          %mul3A_165 = arith.constant 160000 : i32
          %mul3A_166 = arith.muli %arg0, %mul3A_165 : i32
          %add3A_167 = arith.addi %mul3A_166, %mul3A_0 : i32
          %mul3A_168 = arith.constant 80 : i32
          %mul3A_169 = arith.muli %add3A_164, %mul3A_168 : i32
          %add3A_170 = arith.addi %add3A_167, %mul3A_169 : i32
          %dma_start3A_171 = tpu.memref_slice %arg5[%add3A_170] : memref<320000xi32, #tpu.memory_space<hbm>> -> memref<80xi32, #tpu.memory_space<hbm>>
          %dma_start3A_172 = tpu.memref_slice %arg5[%add3A_170] : memref<320000xi32, #tpu.memory_space<hbm>> -> memref<80xi32, #tpu.memory_space<hbm>>
          tpu.enqueue_dma source(%dma_start3A_172 : memref<80xi32, #tpu.memory_space<hbm>>) target(%arg15 : memref<80xi32, #tpu.memory_space<vmem>>) target_semaphore(%arg23 : memref<!tpu.dma_semaphore, #tpu.memory_space<semaphore_mem>>)
        } else {
        }
        %scan3A_143 = arith.constant 0 : i32
        %scan3A_144 = arith.constant 0 : i32
        %scan3A_145 = arith.constant 40 : i32
        %scan3A_146 = arith.addi %scan3A_144, %scan3A_145 : i32
        %scan3A_147 = arith.constant 1 : i32
        scf.for %scan3A_156 = %scan3A_144 to %scan3A_146 step %scan3A_147  : i32 {
          %mul3A_157 = arith.constant 2 : i32
          %mul3A_158 = arith.muli %scan3A_156, %mul3A_157 : i32
          %add3A_159 = arith.constant 0 : i32
          %add3A_160 = arith.addi %mul3A_158, %add3A_159 : i32
          %get3A = arith.index_cast %add3A_160 : i32 to index
          %get3A_161 = arith.constant 0 : index
          %get3A_162 = tpu.vector_load %arg11[%get3A, %get3A_161] {strides = array<i32>} : memref<80x128xf32, #tpu.memory_space<vmem>>, vector<1x16xf32>,
          %get3A_163 = vector.shape_cast %get3A_162 : vector<1x16xf32> to vector<16xf32>
          %neg3A = arith.constant 0.000000e+00 : f32
          %neg3A_164 = vector.broadcast %neg3A : f32 to vector<16xf32>
          %neg3A_165 = arith.subf %neg3A_164, %get3A_163 : vector<16xf32>
          %swap3A = arith.index_cast %add3A_160 : i32 to index
          %swap3A_166 = arith.constant 0 : index
          %swap3A_167 = tpu.vector_load %arg9[%swap3A, %swap3A_166] {strides = array<i32>} : memref<80x128xf32, #tpu.memory_space<vmem>>, vector<1x16xf32>,
          %swap3A_168 = vector.shape_cast %swap3A_167 : vector<1x16xf32> to vector<16xf32>
          %swap3A_169 = vector.shape_cast %neg3A_165 : vector<16xf32> to vector<1x16xf32>
          tpu.vector_store %arg9[%swap3A, %swap3A_166], %swap3A_169 {add = true, strides = array<i32>} : memref<80x128xf32, #tpu.memory_space<vmem>>, vector<1x16xf32>,
          %get3A_170 = arith.index_cast %add3A_160 : i32 to index
          %get3A_171 = arith.constant 16 : index
          %get3A_172 = tpu.vector_load %arg11[%get3A_170, %get3A_171] {strides = array<i32>} : memref<80x128xf32, #tpu.memory_space<vmem>>, vector<1x16xf32>,
          %get3A_173 = vector.shape_cast %get3A_172 : vector<1x16xf32> to vector<16xf32>
          %neg3A_174 = arith.constant 0.000000e+00 : f32
          %neg3A_175 = vector.broadcast %neg3A_174 : f32 to vector<16xf32>
          %neg3A_176 = arith.subf %neg3A_175, %get3A_173 : vector<16xf32>
          %swap3A_177 = arith.index_cast %add3A_160 : i32 to index
          %swap3A_178 = arith.constant 16 : index
          %swap3A_179 = tpu.vector_load %arg9[%swap3A_177, %swap3A_178] {strides = array<i32>} : memref<80x128xf32, #tpu.memory_space<vmem>>, vector<1x16xf32>,
          %swap3A_180 = vector.shape_cast %swap3A_179 : vector<1x16xf32> to vector<16xf32>
          %swap3A_181 = vector.shape_cast %neg3A_176 : vector<16xf32> to vector<1x16xf32>
          tpu.vector_store %arg9[%swap3A_177, %swap3A_178], %swap3A_181 {add = true, strides = array<i32>} : memref<80x128xf32, #tpu.memory_space<vmem>>, vector<1x16xf32>,
          %get3A_182 = arith.index_cast %add3A_160 : i32 to index
          %get3A_183 = arith.constant 32 : index
          %get3A_184 = tpu.vector_load %arg11[%get3A_182, %get3A_183] {strides = array<i32>} : memref<80x128xf32, #tpu.memory_space<vmem>>, vector<1x16xf32>,
          %get3A_185 = vector.shape_cast %get3A_184 : vector<1x16xf32> to vector<16xf32>
          %neg3A_186 = arith.constant 0.000000e+00 : f32
          %neg3A_187 = vector.broadcast %neg3A_186 : f32 to vector<16xf32>
          %neg3A_188 = arith.subf %neg3A_187, %get3A_185 : vector<16xf32>
          %swap3A_189 = arith.index_cast %add3A_160 : i32 to index
          %swap3A_190 = arith.constant 32 : index
          %swap3A_191 = tpu.vector_load %arg9[%swap3A_189, %swap3A_190] {strides = array<i32>} : memref<80x128xf32, #tpu.memory_space<vmem>>, vector<1x16xf32>,
          %swap3A_192 = vector.shape_cast %swap3A_191 : vector<1x16xf32> to vector<16xf32>
          %swap3A_193 = vector.shape_cast %neg3A_188 : vector<16xf32> to vector<1x16xf32>
          tpu.vector_store %arg9[%swap3A_189, %swap3A_190], %swap3A_193 {add = true, strides = array<i32>} : memref<80x128xf32, #tpu.memory_space<vmem>>, vector<1x16xf32>,
          %get3A_194 = arith.index_cast %add3A_160 : i32 to index
          %get3A_195 = arith.constant 48 : index
          %get3A_196 = tpu.vector_load %arg11[%get3A_194, %get3A_195] {strides = array<i32>} : memref<80x128xf32, #tpu.memory_space<vmem>>, vector<1x16xf32>,
          %get3A_197 = vector.shape_cast %get3A_196 : vector<1x16xf32> to vector<16xf32>
          %neg3A_198 = arith.constant 0.000000e+00 : f32
          %neg3A_199 = vector.broadcast %neg3A_198 : f32 to vector<16xf32>
          %neg3A_200 = arith.subf %neg3A_199, %get3A_197 : vector<16xf32>
          %swap3A_201 = arith.index_cast %add3A_160 : i32 to index
          %swap3A_202 = arith.constant 48 : index
          %swap3A_203 = tpu.vector_load %arg9[%swap3A_201, %swap3A_202] {strides = array<i32>} : memref<80x128xf32, #tpu.memory_space<vmem>>, vector<1x16xf32>,
          %swap3A_204 = vector.shape_cast %swap3A_203 : vector<1x16xf32> to vector<16xf32>
          %swap3A_205 = vector.shape_cast %neg3A_200 : vector<16xf32> to vector<1x16xf32>
          tpu.vector_store %arg9[%swap3A_201, %swap3A_202], %swap3A_205 {add = true, strides = array<i32>} : memref<80x128xf32, #tpu.memory_space<vmem>>, vector<1x16xf32>,
          %get3A_206 = arith.index_cast %add3A_160 : i32 to index
          %get3A_207 = arith.constant 64 : index
          %get3A_208 = tpu.vector_load %arg11[%get3A_206, %get3A_207] {strides = array<i32>} : memref<80x128xf32, #tpu.memory_space<vmem>>, vector<1x16xf32>,
          %get3A_209 = vector.shape_cast %get3A_208 : vector<1x16xf32> to vector<16xf32>
          %neg3A_210 = arith.constant 0.000000e+00 : f32
          %neg3A_211 = vector.broadcast %neg3A_210 : f32 to vector<16xf32>
          %neg3A_212 = arith.subf %neg3A_211, %get3A_209 : vector<16xf32>
          %swap3A_213 = arith.index_cast %add3A_160 : i32 to index
          %swap3A_214 = arith.constant 64 : index
          %swap3A_215 = tpu.vector_load %arg9[%swap3A_213, %swap3A_214] {strides = array<i32>} : memref<80x128xf32, #tpu.memory_space<vmem>>, vector<1x16xf32>,
          %swap3A_216 = vector.shape_cast %swap3A_215 : vector<1x16xf32> to vector<16xf32>
          %swap3A_217 = vector.shape_cast %neg3A_212 : vector<16xf32> to vector<1x16xf32>
          tpu.vector_store %arg9[%swap3A_213, %swap3A_214], %swap3A_217 {add = true, strides = array<i32>} : memref<80x128xf32, #tpu.memory_space<vmem>>, vector<1x16xf32>,
          %get3A_218 = arith.index_cast %add3A_160 : i32 to index
          %get3A_219 = arith.constant 80 : index
          %get3A_220 = tpu.vector_load %arg11[%get3A_218, %get3A_219] {strides = array<i32>} : memref<80x128xf32, #tpu.memory_space<vmem>>, vector<1x16xf32>,
          %get3A_221 = vector.shape_cast %get3A_220 : vector<1x16xf32> to vector<16xf32>
          %neg3A_222 = arith.constant 0.000000e+00 : f32
          %neg3A_223 = vector.broadcast %neg3A_222 : f32 to vector<16xf32>
          %neg3A_224 = arith.subf %neg3A_223, %get3A_221 : vector<16xf32>
          %swap3A_225 = arith.index_cast %add3A_160 : i32 to index
          %swap3A_226 = arith.constant 80 : index
          %swap3A_227 = tpu.vector_load %arg9[%swap3A_225, %swap3A_226] {strides = array<i32>} : memref<80x128xf32, #tpu.memory_space<vmem>>, vector<1x16xf32>,
          %swap3A_228 = vector.shape_cast %swap3A_227 : vector<1x16xf32> to vector<16xf32>
          %swap3A_229 = vector.shape_cast %neg3A_224 : vector<16xf32> to vector<1x16xf32>
          tpu.vector_store %arg9[%swap3A_225, %swap3A_226], %swap3A_229 {add = true, strides = array<i32>} : memref<80x128xf32, #tpu.memory_space<vmem>>, vector<1x16xf32>,
          %get3A_230 = arith.index_cast %add3A_160 : i32 to index
          %get3A_231 = arith.constant 96 : index
          %get3A_232 = tpu.vector_load %arg11[%get3A_230, %get3A_231] {strides = array<i32>} : memref<80x128xf32, #tpu.memory_space<vmem>>, vector<1x16xf32>,
          %get3A_233 = vector.shape_cast %get3A_232 : vector<1x16xf32> to vector<16xf32>
          %neg3A_234 = arith.constant 0.000000e+00 : f32
          %neg3A_235 = vector.broadcast %neg3A_234 : f32 to vector<16xf32>
          %neg3A_236 = arith.subf %neg3A_235, %get3A_233 : vector<16xf32>
          %swap3A_237 = arith.index_cast %add3A_160 : i32 to index
          %swap3A_238 = arith.constant 96 : index
          %swap3A_239 = tpu.vector_load %arg9[%swap3A_237, %swap3A_238] {strides = array<i32>} : memref<80x128xf32, #tpu.memory_space<vmem>>, vector<1x16xf32>,
          %swap3A_240 = vector.shape_cast %swap3A_239 : vector<1x16xf32> to vector<16xf32>
          %swap3A_241 = vector.shape_cast %neg3A_236 : vector<16xf32> to vector<1x16xf32>
          tpu.vector_store %arg9[%swap3A_237, %swap3A_238], %swap3A_241 {add = true, strides = array<i32>} : memref<80x128xf32, #tpu.memory_space<vmem>>, vector<1x16xf32>,
          %get3A_242 = arith.index_cast %add3A_160 : i32 to index
          %get3A_243 = arith.constant 112 : index
          %get3A_244 = tpu.vector_load %arg11[%get3A_242, %get3A_243] {strides = array<i32>} : memref<80x128xf32, #tpu.memory_space<vmem>>, vector<1x16xf32>,
          %get3A_245 = vector.shape_cast %get3A_244 : vector<1x16xf32> to vector<16xf32>
          %neg3A_246 = arith.constant 0.000000e+00 : f32
          %neg3A_247 = vector.broadcast %neg3A_246 : f32 to vector<16xf32>
          %neg3A_248 = arith.subf %neg3A_247, %get3A_245 : vector<16xf32>
          %swap3A_249 = arith.index_cast %add3A_160 : i32 to index
          %swap3A_250 = arith.constant 112 : index
          %swap3A_251 = tpu.vector_load %arg9[%swap3A_249, %swap3A_250] {strides = array<i32>} : memref<80x128xf32, #tpu.memory_space<vmem>>, vector<1x16xf32>,
          %swap3A_252 = vector.shape_cast %swap3A_251 : vector<1x16xf32> to vector<16xf32>
          %swap3A_253 = vector.shape_cast %neg3A_248 : vector<16xf32> to vector<1x16xf32>
          tpu.vector_store %arg9[%swap3A_249, %swap3A_250], %swap3A_253 {add = true, strides = array<i32>} : memref<80x128xf32, #tpu.memory_space<vmem>>, vector<1x16xf32>,
          %mul3A_254 = arith.constant 2 : i32
          %mul3A_255 = arith.muli %scan3A_156, %mul3A_254 : i32
          %add3A_256 = arith.constant 1 : i32
          %add3A_257 = arith.addi %mul3A_255, %add3A_256 : i32
          %get3A_258 = arith.index_cast %add3A_257 : i32 to index
          %get3A_259 = arith.constant 0 : index
          %get3A_260 = tpu.vector_load %arg11[%get3A_258, %get3A_259] {strides = array<i32>} : memref<80x128xf32, #tpu.memory_space<vmem>>, vector<1x16xf32>,
          %get3A_261 = vector.shape_cast %get3A_260 : vector<1x16xf32> to vector<16xf32>
          %neg3A_262 = arith.constant 0.000000e+00 : f32
          %neg3A_263 = vector.broadcast %neg3A_262 : f32 to vector<16xf32>
          %neg3A_264 = arith.subf %neg3A_263, %get3A_261 : vector<16xf32>
          %swap3A_265 = arith.index_cast %add3A_257 : i32 to index
          %swap3A_266 = arith.constant 0 : index
          %swap3A_267 = tpu.vector_load %arg9[%swap3A_265, %swap3A_266] {strides = array<i32>} : memref<80x128xf32, #tpu.memory_space<vmem>>, vector<1x16xf32>,
          %swap3A_268 = vector.shape_cast %swap3A_267 : vector<1x16xf32> to vector<16xf32>
          %swap3A_269 = vector.shape_cast %neg3A_264 : vector<16xf32> to vector<1x16xf32>
          tpu.vector_store %arg9[%swap3A_265, %swap3A_266], %swap3A_269 {add = true, strides = array<i32>} : memref<80x128xf32, #tpu.memory_space<vmem>>, vector<1x16xf32>,
          %get3A_270 = arith.index_cast %add3A_257 : i32 to index
          %get3A_271 = arith.constant 16 : index
          %get3A_272 = tpu.vector_load %arg11[%get3A_270, %get3A_271] {strides = array<i32>} : memref<80x128xf32, #tpu.memory_space<vmem>>, vector<1x16xf32>,
          %get3A_273 = vector.shape_cast %get3A_272 : vector<1x16xf32> to vector<16xf32>
          %neg3A_274 = arith.constant 0.000000e+00 : f32
          %neg3A_275 = vector.broadcast %neg3A_274 : f32 to vector<16xf32>
          %neg3A_276 = arith.subf %neg3A_275, %get3A_273 : vector<16xf32>
          %swap3A_277 = arith.index_cast %add3A_257 : i32 to index
          %swap3A_278 = arith.constant 16 : index
          %swap3A_279 = tpu.vector_load %arg9[%swap3A_277, %swap3A_278] {strides = array<i32>} : memref<80x128xf32, #tpu.memory_space<vmem>>, vector<1x16xf32>,
          %swap3A_280 = vector.shape_cast %swap3A_279 : vector<1x16xf32> to vector<16xf32>
          %swap3A_281 = vector.shape_cast %neg3A_276 : vector<16xf32> to vector<1x16xf32>
          tpu.vector_store %arg9[%swap3A_277, %swap3A_278], %swap3A_281 {add = true, strides = array<i32>} : memref<80x128xf32, #tpu.memory_space<vmem>>, vector<1x16xf32>,
          %get3A_282 = arith.index_cast %add3A_257 : i32 to index
          %get3A_283 = arith.constant 32 : index
          %get3A_284 = tpu.vector_load %arg11[%get3A_282, %get3A_283] {strides = array<i32>} : memref<80x128xf32, #tpu.memory_space<vmem>>, vector<1x16xf32>,
          %get3A_285 = vector.shape_cast %get3A_284 : vector<1x16xf32> to vector<16xf32>
          %neg3A_286 = arith.constant 0.000000e+00 : f32
          %neg3A_287 = vector.broadcast %neg3A_286 : f32 to vector<16xf32>
          %neg3A_288 = arith.subf %neg3A_287, %get3A_285 : vector<16xf32>
          %swap3A_289 = arith.index_cast %add3A_257 : i32 to index
          %swap3A_290 = arith.constant 32 : index
          %swap3A_291 = tpu.vector_load %arg9[%swap3A_289, %swap3A_290] {strides = array<i32>} : memref<80x128xf32, #tpu.memory_space<vmem>>, vector<1x16xf32>,
          %swap3A_292 = vector.shape_cast %swap3A_291 : vector<1x16xf32> to vector<16xf32>
          %swap3A_293 = vector.shape_cast %neg3A_288 : vector<16xf32> to vector<1x16xf32>
          tpu.vector_store %arg9[%swap3A_289, %swap3A_290], %swap3A_293 {add = true, strides = array<i32>} : memref<80x128xf32, #tpu.memory_space<vmem>>, vector<1x16xf32>,
          %get3A_294 = arith.index_cast %add3A_257 : i32 to index
          %get3A_295 = arith.constant 48 : index
          %get3A_296 = tpu.vector_load %arg11[%get3A_294, %get3A_295] {strides = array<i32>} : memref<80x128xf32, #tpu.memory_space<vmem>>, vector<1x16xf32>,
          %get3A_297 = vector.shape_cast %get3A_296 : vector<1x16xf32> to vector<16xf32>
          %neg3A_298 = arith.constant 0.000000e+00 : f32
          %neg3A_299 = vector.broadcast %neg3A_298 : f32 to vector<16xf32>
          %neg3A_300 = arith.subf %neg3A_299, %get3A_297 : vector<16xf32>
          %swap3A_301 = arith.index_cast %add3A_257 : i32 to index
          %swap3A_302 = arith.constant 48 : index
          %swap3A_303 = tpu.vector_load %arg9[%swap3A_301, %swap3A_302] {strides = array<i32>} : memref<80x128xf32, #tpu.memory_space<vmem>>, vector<1x16xf32>,
          %swap3A_304 = vector.shape_cast %swap3A_303 : vector<1x16xf32> to vector<16xf32>
          %swap3A_305 = vector.shape_cast %neg3A_300 : vector<16xf32> to vector<1x16xf32>
          tpu.vector_store %arg9[%swap3A_301, %swap3A_302], %swap3A_305 {add = true, strides = array<i32>} : memref<80x128xf32, #tpu.memory_space<vmem>>, vector<1x16xf32>,
          %get3A_306 = arith.index_cast %add3A_257 : i32 to index
          %get3A_307 = arith.constant 64 : index
          %get3A_308 = tpu.vector_load %arg11[%get3A_306, %get3A_307] {strides = array<i32>} : memref<80x128xf32, #tpu.memory_space<vmem>>, vector<1x16xf32>,
          %get3A_309 = vector.shape_cast %get3A_308 : vector<1x16xf32> to vector<16xf32>
          %neg3A_310 = arith.constant 0.000000e+00 : f32
          %neg3A_311 = vector.broadcast %neg3A_310 : f32 to vector<16xf32>
          %neg3A_312 = arith.subf %neg3A_311, %get3A_309 : vector<16xf32>
          %swap3A_313 = arith.index_cast %add3A_257 : i32 to index
          %swap3A_314 = arith.constant 64 : index
          %swap3A_315 = tpu.vector_load %arg9[%swap3A_313, %swap3A_314] {strides = array<i32>} : memref<80x128xf32, #tpu.memory_space<vmem>>, vector<1x16xf32>,
          %swap3A_316 = vector.shape_cast %swap3A_315 : vector<1x16xf32> to vector<16xf32>
          %swap3A_317 = vector.shape_cast %neg3A_312 : vector<16xf32> to vector<1x16xf32>
          tpu.vector_store %arg9[%swap3A_313, %swap3A_314], %swap3A_317 {add = true, strides = array<i32>} : memref<80x128xf32, #tpu.memory_space<vmem>>, vector<1x16xf32>,
          %get3A_318 = arith.index_cast %add3A_257 : i32 to index
          %get3A_319 = arith.constant 80 : index
          %get3A_320 = tpu.vector_load %arg11[%get3A_318, %get3A_319] {strides = array<i32>} : memref<80x128xf32, #tpu.memory_space<vmem>>, vector<1x16xf32>,
          %get3A_321 = vector.shape_cast %get3A_320 : vector<1x16xf32> to vector<16xf32>
          %neg3A_322 = arith.constant 0.000000e+00 : f32
          %neg3A_323 = vector.broadcast %neg3A_322 : f32 to vector<16xf32>
          %neg3A_324 = arith.subf %neg3A_323, %get3A_321 : vector<16xf32>
          %swap3A_325 = arith.index_cast %add3A_257 : i32 to index
          %swap3A_326 = arith.constant 80 : index
          %swap3A_327 = tpu.vector_load %arg9[%swap3A_325, %swap3A_326] {strides = array<i32>} : memref<80x128xf32, #tpu.memory_space<vmem>>, vector<1x16xf32>,
          %swap3A_328 = vector.shape_cast %swap3A_327 : vector<1x16xf32> to vector<16xf32>
          %swap3A_329 = vector.shape_cast %neg3A_324 : vector<16xf32> to vector<1x16xf32>
          tpu.vector_store %arg9[%swap3A_325, %swap3A_326], %swap3A_329 {add = true, strides = array<i32>} : memref<80x128xf32, #tpu.memory_space<vmem>>, vector<1x16xf32>,
          %get3A_330 = arith.index_cast %add3A_257 : i32 to index
          %get3A_331 = arith.constant 96 : index
          %get3A_332 = tpu.vector_load %arg11[%get3A_330, %get3A_331] {strides = array<i32>} : memref<80x128xf32, #tpu.memory_space<vmem>>, vector<1x16xf32>,
          %get3A_333 = vector.shape_cast %get3A_332 : vector<1x16xf32> to vector<16xf32>
          %neg3A_334 = arith.constant 0.000000e+00 : f32
          %neg3A_335 = vector.broadcast %neg3A_334 : f32 to vector<16xf32>
          %neg3A_336 = arith.subf %neg3A_335, %get3A_333 : vector<16xf32>
          %swap3A_337 = arith.index_cast %add3A_257 : i32 to index
          %swap3A_338 = arith.constant 96 : index
          %swap3A_339 = tpu.vector_load %arg9[%swap3A_337, %swap3A_338] {strides = array<i32>} : memref<80x128xf32, #tpu.memory_space<vmem>>, vector<1x16xf32>,
          %swap3A_340 = vector.shape_cast %swap3A_339 : vector<1x16xf32> to vector<16xf32>
          %swap3A_341 = vector.shape_cast %neg3A_336 : vector<16xf32> to vector<1x16xf32>
          tpu.vector_store %arg9[%swap3A_337, %swap3A_338], %swap3A_341 {add = true, strides = array<i32>} : memref<80x128xf32, #tpu.memory_space<vmem>>, vector<1x16xf32>,
          %get3A_342 = arith.index_cast %add3A_257 : i32 to index
          %get3A_343 = arith.constant 112 : index
          %get3A_344 = tpu.vector_load %arg11[%get3A_342, %get3A_343] {strides = array<i32>} : memref<80x128xf32, #tpu.memory_space<vmem>>, vector<1x16xf32>,
          %get3A_345 = vector.shape_cast %get3A_344 : vector<1x16xf32> to vector<16xf32>
          %neg3A_346 = arith.constant 0.000000e+00 : f32
          %neg3A_347 = vector.broadcast %neg3A_346 : f32 to vector<16xf32>
          %neg3A_348 = arith.subf %neg3A_347, %get3A_345 : vector<16xf32>
          %swap3A_349 = arith.index_cast %add3A_257 : i32 to index
          %swap3A_350 = arith.constant 112 : index
          %swap3A_351 = tpu.vector_load %arg9[%swap3A_349, %swap3A_350] {strides = array<i32>} : memref<80x128xf32, #tpu.memory_space<vmem>>, vector<1x16xf32>,
          %swap3A_352 = vector.shape_cast %swap3A_351 : vector<1x16xf32> to vector<16xf32>
          %swap3A_353 = vector.shape_cast %neg3A_348 : vector<16xf32> to vector<1x16xf32>
          tpu.vector_store %arg9[%swap3A_349, %swap3A_350], %swap3A_353 {add = true, strides = array<i32>} : memref<80x128xf32, #tpu.memory_space<vmem>>, vector<1x16xf32>,
        }
        %scan3A_148 = arith.constant 40 : i32
        %mul3A_149 = arith.constant 80 : i32
        %mul3A_150 = arith.muli %add3A_110, %mul3A_149 : i32
        %add3A_151 = arith.addi %mul3A_0, %mul3A_150 : i32
        %mul3A_152 = arith.constant 128 : i32
        %mul3A_153 = arith.muli %arg0, %mul3A_152 : i32
        %dma_start3A_154 = tpu.memref_slice %arg7[%add3A_151, %mul3A_153] : memref<160000x256xf32, #tpu.memory_space<hbm>> -> memref<80x128xf32, #tpu.memory_space<hbm>>
        %dma_start3A_155 = tpu.memref_slice %arg7[%add3A_151, %mul3A_153] : memref<160000x256xf32, #tpu.memory_space<hbm>> -> memref<80x128xf32, #tpu.memory_space<hbm>>
        tpu.enqueue_dma source(%arg9 : memref<80x128xf32, #tpu.memory_space<vmem>>) target(%dma_start3A_155 : memref<80x128xf32, #tpu.memory_space<hbm>>) target_semaphore(%arg25 : memref<!tpu.dma_semaphore, #tpu.memory_space<semaphore_mem>>)
      } else {
      }
      %mul3A_114 = arith.constant 2 : i32
      %mul3A_115 = arith.muli %scan3A_106, %mul3A_114 : i32
      %add3A_116 = arith.constant 1 : i32
      %add3A_117 = arith.addi %mul3A_115, %add3A_116 : i32
      %lt3A_118 = arith.constant 125 : i32
      %lt3A_119 = arith.cmpi slt, %add3A_117, %lt3A_118 : i32
      %convert_element_type3A_120 = arith.extui %lt3A_119 : i1 to i32
      %cond3A_121 = arith.constant 0 : i32
      %cond3A_122 = arith.cmpi ne, %convert_element_type3A_120, %cond3A_121 : i32
      scf.if %cond3A_122 {
        %add3A_123 = arith.constant 1 : i32
        %add3A_124 = arith.addi %add3A_117, %add3A_123 : i32
        %lt3A_125 = arith.constant 125 : i32
        %lt3A_126 = arith.cmpi slt, %add3A_124, %lt3A_125 : i32
        %convert_element_type3A_127 = arith.extui %lt3A_126 : i1 to i32
        %cond3A_128 = arith.constant 0 : i32
        %cond3A_129 = arith.cmpi ne, %convert_element_type3A_127, %cond3A_128 : i32
        scf.if %cond3A_129 {
          %add3A_156 = arith.constant 1 : i32
          %add3A_157 = arith.addi %add3A_117, %add3A_156 : i32
          %mul3A_158 = arith.constant 80 : i32
          %mul3A_159 = arith.muli %add3A_157, %mul3A_158 : i32
          %add3A_160 = arith.addi %mul3A_0, %mul3A_159 : i32
          %dma_wait3A_161 = tpu.memref_slice %arg4[%add3A_160] : memref<160000xi32, #tpu.memory_space<hbm>> -> memref<80xi32, #tpu.memory_space<hbm>>
          %dma_wait3A_162 = tpu.memref_slice %arg4[%add3A_160] : memref<160000xi32, #tpu.memory_space<hbm>> -> memref<80xi32, #tpu.memory_space<hbm>>
          tpu.wait_dma2 semaphore(%arg21 : memref<!tpu.dma_semaphore, #tpu.memory_space<semaphore_mem>>) src(%dma_wait3A_162 : memref<80xi32, #tpu.memory_space<hbm>>) dst(%arg13 : memref<80xi32, #tpu.memory_space<vmem>>)
          %add3A_163 = arith.constant 1 : i32
          %add3A_164 = arith.addi %add3A_117, %add3A_163 : i32
          %mul3A_165 = arith.constant 160000 : i32
          %mul3A_166 = arith.muli %arg0, %mul3A_165 : i32
          %add3A_167 = arith.addi %mul3A_166, %mul3A_0 : i32
          %mul3A_168 = arith.constant 80 : i32
          %mul3A_169 = arith.muli %add3A_164, %mul3A_168 : i32
          %add3A_170 = arith.addi %add3A_167, %mul3A_169 : i32
          %dma_wait3A_171 = tpu.memref_slice %arg5[%add3A_170] : memref<320000xi32, #tpu.memory_space<hbm>> -> memref<80xi32, #tpu.memory_space<hbm>>
          %dma_wait3A_172 = tpu.memref_slice %arg5[%add3A_170] : memref<320000xi32, #tpu.memory_space<hbm>> -> memref<80xi32, #tpu.memory_space<hbm>>
          tpu.wait_dma2 semaphore(%arg23 : memref<!tpu.dma_semaphore, #tpu.memory_space<semaphore_mem>>) src(%dma_wait3A_172 : memref<80xi32, #tpu.memory_space<hbm>>) dst(%arg15 : memref<80xi32, #tpu.memory_space<vmem>>)
          %ge3A = arith.constant 1 : i32
          %ge3A_173 = arith.cmpi sge, %add3A_117, %ge3A : i32
          %convert_element_type3A_174 = arith.extui %ge3A_173 : i1 to i32
          %cond3A_175 = arith.constant 0 : i32
          %cond3A_176 = arith.cmpi ne, %convert_element_type3A_174, %cond3A_175 : i32
          scf.if %cond3A_176 {
            %sub3A = arith.constant 1 : i32
            %sub3A_183 = arith.subi %add3A_117, %sub3A : i32
            %mul3A_184 = arith.constant 80 : i32
            %mul3A_185 = arith.muli %sub3A_183, %mul3A_184 : i32
            %add3A_186 = arith.addi %mul3A_0, %mul3A_185 : i32
            %mul3A_187 = arith.constant 128 : i32
            %mul3A_188 = arith.muli %arg0, %mul3A_187 : i32
            %dma_wait3A_189 = tpu.memref_slice %arg7[%add3A_186, %mul3A_188] : memref<160000x256xf32, #tpu.memory_space<hbm>> -> memref<80x128xf32, #tpu.memory_space<hbm>>
            %dma_wait3A_190 = tpu.memref_slice %arg7[%add3A_186, %mul3A_188] : memref<160000x256xf32, #tpu.memory_space<hbm>> -> memref<80x128xf32, #tpu.memory_space<hbm>>
            tpu.wait_dma2 semaphore(%arg25 : memref<!tpu.dma_semaphore, #tpu.memory_space<semaphore_mem>>) src(%arg9 : memref<80x128xf32, #tpu.memory_space<vmem>>) dst(%dma_wait3A_190 : memref<80x128xf32, #tpu.memory_space<hbm>>)
          } else {
          }
          %dma_start3A_177 = arith.constant 0 : i32
          %dma_start3A_178 = arith.constant 0 : i32
          %dma_start3A_179 = tpu.memref_slice %arg8[%dma_start3A_177, %dma_start3A_178] : memref<10000x128xf32, #tpu.memory_space<vmem_shared>> -> memref<10000x128xf32, #tpu.memory_space<vmem_shared>>
          tpu.enqueue_indirect_dma source(%dma_start3A_179 : memref<10000x128xf32, #tpu.memory_space<vmem_shared>>) target(%arg9 : memref<80x128xf32, #tpu.memory_space<vmem>>) offsets(%arg13 : memref<80xi32, #tpu.memory_space<vmem>>) semaphore(%arg17 : memref<!tpu.dma_semaphore, #tpu.memory_space<semaphore_mem>>)
          %dma_start3A_180 = arith.constant 0 : i32
          %dma_start3A_181 = arith.constant 0 : i32
          %dma_start3A_182 = tpu.memref_slice %arg2[%dma_start3A_180, %dma_start3A_181] : memref<320000x128xf32, #tpu.memory_space<hbm>> -> memref<320000x128xf32, #tpu.memory_space<hbm>>
          tpu.enqueue_indirect_dma source(%dma_start3A_182 : memref<320000x128xf32, #tpu.memory_space<hbm>>) target(%arg11 : memref<80x128xf32, #tpu.memory_space<vmem>>) offsets(%arg15 : memref<80xi32, #tpu.memory_space<vmem>>) semaphore(%arg19 : memref<!tpu.dma_semaphore, #tpu.memory_space<semaphore_mem>>)
        } else {
        }
        %dma_wait3A_130 = arith.constant 0 : i32
        %dma_wait3A_131 = arith.constant 0 : i32
        %dma_wait3A_132 = tpu.memref_slice %arg8[%dma_wait3A_130, %dma_wait3A_131] : memref<10000x128xf32, #tpu.memory_space<vmem_shared>> -> memref<10000x128xf32, #tpu.memory_space<vmem_shared>>
        tpu.wait_indirect_dma semaphore(%arg18 : memref<!tpu.dma_semaphore, #tpu.memory_space<semaphore_mem>>) src(%dma_wait3A_132 : memref<10000x128xf32, #tpu.memory_space<vmem_shared>>) dst(%arg10 : memref<80x128xf32, #tpu.memory_space<vmem>>)
        %dma_wait3A_133 = arith.constant 0 : i32
        %dma_wait3A_134 = arith.constant 0 : i32
        %dma_wait3A_135 = tpu.memref_slice %arg2[%dma_wait3A_133, %dma_wait3A_134] : memref<320000x128xf32, #tpu.memory_space<hbm>> -> memref<320000x128xf32, #tpu.memory_space<hbm>>
        tpu.wait_indirect_dma semaphore(%arg20 : memref<!tpu.dma_semaphore, #tpu.memory_space<semaphore_mem>>) src(%dma_wait3A_135 : memref<320000x128xf32, #tpu.memory_space<hbm>>) dst(%arg12 : memref<80x128xf32, #tpu.memory_space<vmem>>)
        %add3A_136 = arith.constant 2 : i32
        %add3A_137 = arith.addi %add3A_117, %add3A_136 : i32
        %lt3A_138 = arith.constant 125 : i32
        %lt3A_139 = arith.cmpi slt, %add3A_137, %lt3A_138 : i32
        %convert_element_type3A_140 = arith.extui %lt3A_139 : i1 to i32
        %cond3A_141 = arith.constant 0 : i32
        %cond3A_142 = arith.cmpi ne, %convert_element_type3A_140, %cond3A_141 : i32
        scf.if %cond3A_142 {
          %add3A_156 = arith.constant 2 : i32
          %add3A_157 = arith.addi %add3A_117, %add3A_156 : i32
          %mul3A_158 = arith.constant 80 : i32
          %mul3A_159 = arith.muli %add3A_157, %mul3A_158 : i32
          %add3A_160 = arith.addi %mul3A_0, %mul3A_159 : i32
          %dma_start3A_161 = tpu.memref_slice %arg4[%add3A_160] : memref<160000xi32, #tpu.memory_space<hbm>> -> memref<80xi32, #tpu.memory_space<hbm>>
          %dma_start3A_162 = tpu.memref_slice %arg4[%add3A_160] : memref<160000xi32, #tpu.memory_space<hbm>> -> memref<80xi32, #tpu.memory_space<hbm>>
          tpu.enqueue_dma source(%dma_start3A_162 : memref<80xi32, #tpu.memory_space<hbm>>) target(%arg14 : memref<80xi32, #tpu.memory_space<vmem>>) target_semaphore(%arg22 : memref<!tpu.dma_semaphore, #tpu.memory_space<semaphore_mem>>)
          %add3A_163 = arith.constant 2 : i32
          %add3A_164 = arith.addi %add3A_117, %add3A_163 : i32
          %mul3A_165 = arith.constant 160000 : i32
          %mul3A_166 = arith.muli %arg0, %mul3A_165 : i32
          %add3A_167 = arith.addi %mul3A_166, %mul3A_0 : i32
          %mul3A_168 = arith.constant 80 : i32
          %mul3A_169 = arith.muli %add3A_164, %mul3A_168 : i32
          %add3A_170 = arith.addi %add3A_167, %mul3A_169 : i32
          %dma_start3A_171 = tpu.memref_slice %arg5[%add3A_170] : memref<320000xi32, #tpu.memory_space<hbm>> -> memref<80xi32, #tpu.memory_space<hbm>>
          %dma_start3A_172 = tpu.memref_slice %arg5[%add3A_170] : memref<320000xi32, #tpu.memory_space<hbm>> -> memref<80xi32, #tpu.memory_space<hbm>>
          tpu.enqueue_dma source(%dma_start3A_172 : memref<80xi32, #tpu.memory_space<hbm>>) target(%arg16 : memref<80xi32, #tpu.memory_space<vmem>>) target_semaphore(%arg24 : memref<!tpu.dma_semaphore, #tpu.memory_space<semaphore_mem>>)
        } else {
        }
        %scan3A_143 = arith.constant 0 : i32
        %scan3A_144 = arith.constant 0 : i32
        %scan3A_145 = arith.constant 40 : i32
        %scan3A_146 = arith.addi %scan3A_144, %scan3A_145 : i32
        %scan3A_147 = arith.constant 1 : i32
        scf.for %scan3A_156 = %scan3A_144 to %scan3A_146 step %scan3A_147  : i32 {
          %mul3A_157 = arith.constant 2 : i32
          %mul3A_158 = arith.muli %scan3A_156, %mul3A_157 : i32
          %add3A_159 = arith.constant 0 : i32
          %add3A_160 = arith.addi %mul3A_158, %add3A_159 : i32
          %get3A = arith.index_cast %add3A_160 : i32 to index
          %get3A_161 = arith.constant 0 : index
          %get3A_162 = tpu.vector_load %arg12[%get3A, %get3A_161] {strides = array<i32>} : memref<80x128xf32, #tpu.memory_space<vmem>>, vector<1x16xf32>,
          %get3A_163 = vector.shape_cast %get3A_162 : vector<1x16xf32> to vector<16xf32>
          %neg3A = arith.constant 0.000000e+00 : f32
          %neg3A_164 = vector.broadcast %neg3A : f32 to vector<16xf32>
          %neg3A_165 = arith.subf %neg3A_164, %get3A_163 : vector<16xf32>
          %swap3A = arith.index_cast %add3A_160 : i32 to index
          %swap3A_166 = arith.constant 0 : index
          %swap3A_167 = tpu.vector_load %arg10[%swap3A, %swap3A_166] {strides = array<i32>} : memref<80x128xf32, #tpu.memory_space<vmem>>, vector<1x16xf32>,
          %swap3A_168 = vector.shape_cast %swap3A_167 : vector<1x16xf32> to vector<16xf32>
          %swap3A_169 = vector.shape_cast %neg3A_165 : vector<16xf32> to vector<1x16xf32>
          tpu.vector_store %arg10[%swap3A, %swap3A_166], %swap3A_169 {add = true, strides = array<i32>} : memref<80x128xf32, #tpu.memory_space<vmem>>, vector<1x16xf32>,
          %get3A_170 = arith.index_cast %add3A_160 : i32 to index
          %get3A_171 = arith.constant 16 : index
          %get3A_172 = tpu.vector_load %arg12[%get3A_170, %get3A_171] {strides = array<i32>} : memref<80x128xf32, #tpu.memory_space<vmem>>, vector<1x16xf32>,
          %get3A_173 = vector.shape_cast %get3A_172 : vector<1x16xf32> to vector<16xf32>
          %neg3A_174 = arith.constant 0.000000e+00 : f32
          %neg3A_175 = vector.broadcast %neg3A_174 : f32 to vector<16xf32>
          %neg3A_176 = arith.subf %neg3A_175, %get3A_173 : vector<16xf32>
          %swap3A_177 = arith.index_cast %add3A_160 : i32 to index
          %swap3A_178 = arith.constant 16 : index
          %swap3A_179 = tpu.vector_load %arg10[%swap3A_177, %swap3A_178] {strides = array<i32>} : memref<80x128xf32, #tpu.memory_space<vmem>>, vector<1x16xf32>,
          %swap3A_180 = vector.shape_cast %swap3A_179 : vector<1x16xf32> to vector<16xf32>
          %swap3A_181 = vector.shape_cast %neg3A_176 : vector<16xf32> to vector<1x16xf32>
          tpu.vector_store %arg10[%swap3A_177, %swap3A_178], %swap3A_181 {add = true, strides = array<i32>} : memref<80x128xf32, #tpu.memory_space<vmem>>, vector<1x16xf32>,
          %get3A_182 = arith.index_cast %add3A_160 : i32 to index
          %get3A_183 = arith.constant 32 : index
          %get3A_184 = tpu.vector_load %arg12[%get3A_182, %get3A_183] {strides = array<i32>} : memref<80x128xf32, #tpu.memory_space<vmem>>, vector<1x16xf32>,
          %get3A_185 = vector.shape_cast %get3A_184 : vector<1x16xf32> to vector<16xf32>
          %neg3A_186 = arith.constant 0.000000e+00 : f32
          %neg3A_187 = vector.broadcast %neg3A_186 : f32 to vector<16xf32>
          %neg3A_188 = arith.subf %neg3A_187, %get3A_185 : vector<16xf32>
          %swap3A_189 = arith.index_cast %add3A_160 : i32 to index
          %swap3A_190 = arith.constant 32 : index
          %swap3A_191 = tpu.vector_load %arg10[%swap3A_189, %swap3A_190] {strides = array<i32>} : memref<80x128xf32, #tpu.memory_space<vmem>>, vector<1x16xf32>,
          %swap3A_192 = vector.shape_cast %swap3A_191 : vector<1x16xf32> to vector<16xf32>
          %swap3A_193 = vector.shape_cast %neg3A_188 : vector<16xf32> to vector<1x16xf32>
          tpu.vector_store %arg10[%swap3A_189, %swap3A_190], %swap3A_193 {add = true, strides = array<i32>} : memref<80x128xf32, #tpu.memory_space<vmem>>, vector<1x16xf32>,
          %get3A_194 = arith.index_cast %add3A_160 : i32 to index
          %get3A_195 = arith.constant 48 : index
          %get3A_196 = tpu.vector_load %arg12[%get3A_194, %get3A_195] {strides = array<i32>} : memref<80x128xf32, #tpu.memory_space<vmem>>, vector<1x16xf32>,
          %get3A_197 = vector.shape_cast %get3A_196 : vector<1x16xf32> to vector<16xf32>
          %neg3A_198 = arith.constant 0.000000e+00 : f32
          %neg3A_199 = vector.broadcast %neg3A_198 : f32 to vector<16xf32>
          %neg3A_200 = arith.subf %neg3A_199, %get3A_197 : vector<16xf32>
          %swap3A_201 = arith.index_cast %add3A_160 : i32 to index
          %swap3A_202 = arith.constant 48 : index
          %swap3A_203 = tpu.vector_load %arg10[%swap3A_201, %swap3A_202] {strides = array<i32>} : memref<80x128xf32, #tpu.memory_space<vmem>>, vector<1x16xf32>,
          %swap3A_204 = vector.shape_cast %swap3A_203 : vector<1x16xf32> to vector<16xf32>
          %swap3A_205 = vector.shape_cast %neg3A_200 : vector<16xf32> to vector<1x16xf32>
          tpu.vector_store %arg10[%swap3A_201, %swap3A_202], %swap3A_205 {add = true, strides = array<i32>} : memref<80x128xf32, #tpu.memory_space<vmem>>, vector<1x16xf32>,
          %get3A_206 = arith.index_cast %add3A_160 : i32 to index
          %get3A_207 = arith.constant 64 : index
          %get3A_208 = tpu.vector_load %arg12[%get3A_206, %get3A_207] {strides = array<i32>} : memref<80x128xf32, #tpu.memory_space<vmem>>, vector<1x16xf32>,
          %get3A_209 = vector.shape_cast %get3A_208 : vector<1x16xf32> to vector<16xf32>
          %neg3A_210 = arith.constant 0.000000e+00 : f32
          %neg3A_211 = vector.broadcast %neg3A_210 : f32 to vector<16xf32>
          %neg3A_212 = arith.subf %neg3A_211, %get3A_209 : vector<16xf32>
          %swap3A_213 = arith.index_cast %add3A_160 : i32 to index
          %swap3A_214 = arith.constant 64 : index
          %swap3A_215 = tpu.vector_load %arg10[%swap3A_213, %swap3A_214] {strides = array<i32>} : memref<80x128xf32, #tpu.memory_space<vmem>>, vector<1x16xf32>,
          %swap3A_216 = vector.shape_cast %swap3A_215 : vector<1x16xf32> to vector<16xf32>
          %swap3A_217 = vector.shape_cast %neg3A_212 : vector<16xf32> to vector<1x16xf32>
          tpu.vector_store %arg10[%swap3A_213, %swap3A_214], %swap3A_217 {add = true, strides = array<i32>} : memref<80x128xf32, #tpu.memory_space<vmem>>, vector<1x16xf32>,
          %get3A_218 = arith.index_cast %add3A_160 : i32 to index
          %get3A_219 = arith.constant 80 : index
          %get3A_220 = tpu.vector_load %arg12[%get3A_218, %get3A_219] {strides = array<i32>} : memref<80x128xf32, #tpu.memory_space<vmem>>, vector<1x16xf32>,
          %get3A_221 = vector.shape_cast %get3A_220 : vector<1x16xf32> to vector<16xf32>
          %neg3A_222 = arith.constant 0.000000e+00 : f32
          %neg3A_223 = vector.broadcast %neg3A_222 : f32 to vector<16xf32>
          %neg3A_224 = arith.subf %neg3A_223, %get3A_221 : vector<16xf32>
          %swap3A_225 = arith.index_cast %add3A_160 : i32 to index
          %swap3A_226 = arith.constant 80 : index
          %swap3A_227 = tpu.vector_load %arg10[%swap3A_225, %swap3A_226] {strides = array<i32>} : memref<80x128xf32, #tpu.memory_space<vmem>>, vector<1x16xf32>,
          %swap3A_228 = vector.shape_cast %swap3A_227 : vector<1x16xf32> to vector<16xf32>
          %swap3A_229 = vector.shape_cast %neg3A_224 : vector<16xf32> to vector<1x16xf32>
          tpu.vector_store %arg10[%swap3A_225, %swap3A_226], %swap3A_229 {add = true, strides = array<i32>} : memref<80x128xf32, #tpu.memory_space<vmem>>, vector<1x16xf32>,
          %get3A_230 = arith.index_cast %add3A_160 : i32 to index
          %get3A_231 = arith.constant 96 : index
          %get3A_232 = tpu.vector_load %arg12[%get3A_230, %get3A_231] {strides = array<i32>} : memref<80x128xf32, #tpu.memory_space<vmem>>, vector<1x16xf32>,
          %get3A_233 = vector.shape_cast %get3A_232 : vector<1x16xf32> to vector<16xf32>
          %neg3A_234 = arith.constant 0.000000e+00 : f32
          %neg3A_235 = vector.broadcast %neg3A_234 : f32 to vector<16xf32>
          %neg3A_236 = arith.subf %neg3A_235, %get3A_233 : vector<16xf32>
          %swap3A_237 = arith.index_cast %add3A_160 : i32 to index
          %swap3A_238 = arith.constant 96 : index
          %swap3A_239 = tpu.vector_load %arg10[%swap3A_237, %swap3A_238] {strides = array<i32>} : memref<80x128xf32, #tpu.memory_space<vmem>>, vector<1x16xf32>,
          %swap3A_240 = vector.shape_cast %swap3A_239 : vector<1x16xf32> to vector<16xf32>
          %swap3A_241 = vector.shape_cast %neg3A_236 : vector<16xf32> to vector<1x16xf32>
          tpu.vector_store %arg10[%swap3A_237, %swap3A_238], %swap3A_241 {add = true, strides = array<i32>} : memref<80x128xf32, #tpu.memory_space<vmem>>, vector<1x16xf32>,
          %get3A_242 = arith.index_cast %add3A_160 : i32 to index
          %get3A_243 = arith.constant 112 : index
          %get3A_244 = tpu.vector_load %arg12[%get3A_242, %get3A_243] {strides = array<i32>} : memref<80x128xf32, #tpu.memory_space<vmem>>, vector<1x16xf32>,
          %get3A_245 = vector.shape_cast %get3A_244 : vector<1x16xf32> to vector<16xf32>
          %neg3A_246 = arith.constant 0.000000e+00 : f32
          %neg3A_247 = vector.broadcast %neg3A_246 : f32 to vector<16xf32>
          %neg3A_248 = arith.subf %neg3A_247, %get3A_245 : vector<16xf32>
          %swap3A_249 = arith.index_cast %add3A_160 : i32 to index
          %swap3A_250 = arith.constant 112 : index
          %swap3A_251 = tpu.vector_load %arg10[%swap3A_249, %swap3A_250] {strides = array<i32>} : memref<80x128xf32, #tpu.memory_space<vmem>>, vector<1x16xf32>,
          %swap3A_252 = vector.shape_cast %swap3A_251 : vector<1x16xf32> to vector<16xf32>
          %swap3A_253 = vector.shape_cast %neg3A_248 : vector<16xf32> to vector<1x16xf32>
          tpu.vector_store %arg10[%swap3A_249, %swap3A_250], %swap3A_253 {add = true, strides = array<i32>} : memref<80x128xf32, #tpu.memory_space<vmem>>, vector<1x16xf32>,
          %mul3A_254 = arith.constant 2 : i32
          %mul3A_255 = arith.muli %scan3A_156, %mul3A_254 : i32
          %add3A_256 = arith.constant 1 : i32
          %add3A_257 = arith.addi %mul3A_255, %add3A_256 : i32
          %get3A_258 = arith.index_cast %add3A_257 : i32 to index
          %get3A_259 = arith.constant 0 : index
          %get3A_260 = tpu.vector_load %arg12[%get3A_258, %get3A_259] {strides = array<i32>} : memref<80x128xf32, #tpu.memory_space<vmem>>, vector<1x16xf32>,
          %get3A_261 = vector.shape_cast %get3A_260 : vector<1x16xf32> to vector<16xf32>
          %neg3A_262 = arith.constant 0.000000e+00 : f32
          %neg3A_263 = vector.broadcast %neg3A_262 : f32 to vector<16xf32>
          %neg3A_264 = arith.subf %neg3A_263, %get3A_261 : vector<16xf32>
          %swap3A_265 = arith.index_cast %add3A_257 : i32 to index
          %swap3A_266 = arith.constant 0 : index
          %swap3A_267 = tpu.vector_load %arg10[%swap3A_265, %swap3A_266] {strides = array<i32>} : memref<80x128xf32, #tpu.memory_space<vmem>>, vector<1x16xf32>,
          %swap3A_268 = vector.shape_cast %swap3A_267 : vector<1x16xf32> to vector<16xf32>
          %swap3A_269 = vector.shape_cast %neg3A_264 : vector<16xf32> to vector<1x16xf32>
          tpu.vector_store %arg10[%swap3A_265, %swap3A_266], %swap3A_269 {add = true, strides = array<i32>} : memref<80x128xf32, #tpu.memory_space<vmem>>, vector<1x16xf32>,
          %get3A_270 = arith.index_cast %add3A_257 : i32 to index
          %get3A_271 = arith.constant 16 : index
          %get3A_272 = tpu.vector_load %arg12[%get3A_270, %get3A_271] {strides = array<i32>} : memref<80x128xf32, #tpu.memory_space<vmem>>, vector<1x16xf32>,
          %get3A_273 = vector.shape_cast %get3A_272 : vector<1x16xf32> to vector<16xf32>
          %neg3A_274 = arith.constant 0.000000e+00 : f32
          %neg3A_275 = vector.broadcast %neg3A_274 : f32 to vector<16xf32>
          %neg3A_276 = arith.subf %neg3A_275, %get3A_273 : vector<16xf32>
          %swap3A_277 = arith.index_cast %add3A_257 : i32 to index
          %swap3A_278 = arith.constant 16 : index
          %swap3A_279 = tpu.vector_load %arg10[%swap3A_277, %swap3A_278] {strides = array<i32>} : memref<80x128xf32, #tpu.memory_space<vmem>>, vector<1x16xf32>,
          %swap3A_280 = vector.shape_cast %swap3A_279 : vector<1x16xf32> to vector<16xf32>
          %swap3A_281 = vector.shape_cast %neg3A_276 : vector<16xf32> to vector<1x16xf32>
          tpu.vector_store %arg10[%swap3A_277, %swap3A_278], %swap3A_281 {add = true, strides = array<i32>} : memref<80x128xf32, #tpu.memory_space<vmem>>, vector<1x16xf32>,
          %get3A_282 = arith.index_cast %add3A_257 : i32 to index
          %get3A_283 = arith.constant 32 : index
          %get3A_284 = tpu.vector_load %arg12[%get3A_282, %get3A_283] {strides = array<i32>} : memref<80x128xf32, #tpu.memory_space<vmem>>, vector<1x16xf32>,
          %get3A_285 = vector.shape_cast %get3A_284 : vector<1x16xf32> to vector<16xf32>
          %neg3A_286 = arith.constant 0.000000e+00 : f32
          %neg3A_287 = vector.broadcast %neg3A_286 : f32 to vector<16xf32>
          %neg3A_288 = arith.subf %neg3A_287, %get3A_285 : vector<16xf32>
          %swap3A_289 = arith.index_cast %add3A_257 : i32 to index
          %swap3A_290 = arith.constant 32 : index
          %swap3A_291 = tpu.vector_load %arg10[%swap3A_289, %swap3A_290] {strides = array<i32>} : memref<80x128xf32, #tpu.memory_space<vmem>>, vector<1x16xf32>,
          %swap3A_292 = vector.shape_cast %swap3A_291 : vector<1x16xf32> to vector<16xf32>
          %swap3A_293 = vector.shape_cast %neg3A_288 : vector<16xf32> to vector<1x16xf32>
          tpu.vector_store %arg10[%swap3A_289, %swap3A_290], %swap3A_293 {add = true, strides = array<i32>} : memref<80x128xf32, #tpu.memory_space<vmem>>, vector<1x16xf32>,
          %get3A_294 = arith.index_cast %add3A_257 : i32 to index
          %get3A_295 = arith.constant 48 : index
          %get3A_296 = tpu.vector_load %arg12[%get3A_294, %get3A_295] {strides = array<i32>} : memref<80x128xf32, #tpu.memory_space<vmem>>, vector<1x16xf32>,
          %get3A_297 = vector.shape_cast %get3A_296 : vector<1x16xf32> to vector<16xf32>
          %neg3A_298 = arith.constant 0.000000e+00 : f32
          %neg3A_299 = vector.broadcast %neg3A_298 : f32 to vector<16xf32>
          %neg3A_300 = arith.subf %neg3A_299, %get3A_297 : vector<16xf32>
          %swap3A_301 = arith.index_cast %add3A_257 : i32 to index
          %swap3A_302 = arith.constant 48 : index
          %swap3A_303 = tpu.vector_load %arg10[%swap3A_301, %swap3A_302] {strides = array<i32>} : memref<80x128xf32, #tpu.memory_space<vmem>>, vector<1x16xf32>,
          %swap3A_304 = vector.shape_cast %swap3A_303 : vector<1x16xf32> to vector<16xf32>
          %swap3A_305 = vector.shape_cast %neg3A_300 : vector<16xf32> to vector<1x16xf32>
          tpu.vector_store %arg10[%swap3A_301, %swap3A_302], %swap3A_305 {add = true, strides = array<i32>} : memref<80x128xf32, #tpu.memory_space<vmem>>, vector<1x16xf32>,
          %get3A_306 = arith.index_cast %add3A_257 : i32 to index
          %get3A_307 = arith.constant 64 : index
          %get3A_308 = tpu.vector_load %arg12[%get3A_306, %get3A_307] {strides = array<i32>} : memref<80x128xf32, #tpu.memory_space<vmem>>, vector<1x16xf32>,
          %get3A_309 = vector.shape_cast %get3A_308 : vector<1x16xf32> to vector<16xf32>
          %neg3A_310 = arith.constant 0.000000e+00 : f32
          %neg3A_311 = vector.broadcast %neg3A_310 : f32 to vector<16xf32>
          %neg3A_312 = arith.subf %neg3A_311, %get3A_309 : vector<16xf32>
          %swap3A_313 = arith.index_cast %add3A_257 : i32 to index
          %swap3A_314 = arith.constant 64 : index
          %swap3A_315 = tpu.vector_load %arg10[%swap3A_313, %swap3A_314] {strides = array<i32>} : memref<80x128xf32, #tpu.memory_space<vmem>>, vector<1x16xf32>,
          %swap3A_316 = vector.shape_cast %swap3A_315 : vector<1x16xf32> to vector<16xf32>
          %swap3A_317 = vector.shape_cast %neg3A_312 : vector<16xf32> to vector<1x16xf32>
          tpu.vector_store %arg10[%swap3A_313, %swap3A_314], %swap3A_317 {add = true, strides = array<i32>} : memref<80x128xf32, #tpu.memory_space<vmem>>, vector<1x16xf32>,
          %get3A_318 = arith.index_cast %add3A_257 : i32 to index
          %get3A_319 = arith.constant 80 : index
          %get3A_320 = tpu.vector_load %arg12[%get3A_318, %get3A_319] {strides = array<i32>} : memref<80x128xf32, #tpu.memory_space<vmem>>, vector<1x16xf32>,
          %get3A_321 = vector.shape_cast %get3A_320 : vector<1x16xf32> to vector<16xf32>
          %neg3A_322 = arith.constant 0.000000e+00 : f32
          %neg3A_323 = vector.broadcast %neg3A_322 : f32 to vector<16xf32>
          %neg3A_324 = arith.subf %neg3A_323, %get3A_321 : vector<16xf32>
          %swap3A_325 = arith.index_cast %add3A_257 : i32 to index
          %swap3A_326 = arith.constant 80 : index
          %swap3A_327 = tpu.vector_load %arg10[%swap3A_325, %swap3A_326] {strides = array<i32>} : memref<80x128xf32, #tpu.memory_space<vmem>>, vector<1x16xf32>,
          %swap3A_328 = vector.shape_cast %swap3A_327 : vector<1x16xf32> to vector<16xf32>
          %swap3A_329 = vector.shape_cast %neg3A_324 : vector<16xf32> to vector<1x16xf32>
          tpu.vector_store %arg10[%swap3A_325, %swap3A_326], %swap3A_329 {add = true, strides = array<i32>} : memref<80x128xf32, #tpu.memory_space<vmem>>, vector<1x16xf32>,
          %get3A_330 = arith.index_cast %add3A_257 : i32 to index
          %get3A_331 = arith.constant 96 : index
          %get3A_332 = tpu.vector_load %arg12[%get3A_330, %get3A_331] {strides = array<i32>} : memref<80x128xf32, #tpu.memory_space<vmem>>, vector<1x16xf32>,
          %get3A_333 = vector.shape_cast %get3A_332 : vector<1x16xf32> to vector<16xf32>
          %neg3A_334 = arith.constant 0.000000e+00 : f32
          %neg3A_335 = vector.broadcast %neg3A_334 : f32 to vector<16xf32>
          %neg3A_336 = arith.subf %neg3A_335, %get3A_333 : vector<16xf32>
          %swap3A_337 = arith.index_cast %add3A_257 : i32 to index
          %swap3A_338 = arith.constant 96 : index
          %swap3A_339 = tpu.vector_load %arg10[%swap3A_337, %swap3A_338] {strides = array<i32>} : memref<80x128xf32, #tpu.memory_space<vmem>>, vector<1x16xf32>,
          %swap3A_340 = vector.shape_cast %swap3A_339 : vector<1x16xf32> to vector<16xf32>
          %swap3A_341 = vector.shape_cast %neg3A_336 : vector<16xf32> to vector<1x16xf32>
          tpu.vector_store %arg10[%swap3A_337, %swap3A_338], %swap3A_341 {add = true, strides = array<i32>} : memref<80x128xf32, #tpu.memory_space<vmem>>, vector<1x16xf32>,
          %get3A_342 = arith.index_cast %add3A_257 : i32 to index
          %get3A_343 = arith.constant 112 : index
          %get3A_344 = tpu.vector_load %arg12[%get3A_342, %get3A_343] {strides = array<i32>} : memref<80x128xf32, #tpu.memory_space<vmem>>, vector<1x16xf32>,
          %get3A_345 = vector.shape_cast %get3A_344 : vector<1x16xf32> to vector<16xf32>
          %neg3A_346 = arith.constant 0.000000e+00 : f32
          %neg3A_347 = vector.broadcast %neg3A_346 : f32 to vector<16xf32>
          %neg3A_348 = arith.subf %neg3A_347, %get3A_345 : vector<16xf32>
          %swap3A_349 = arith.index_cast %add3A_257 : i32 to index
          %swap3A_350 = arith.constant 112 : index
          %swap3A_351 = tpu.vector_load %arg10[%swap3A_349, %swap3A_350] {strides = array<i32>} : memref<80x128xf32, #tpu.memory_space<vmem>>, vector<1x16xf32>,
          %swap3A_352 = vector.shape_cast %swap3A_351 : vector<1x16xf32> to vector<16xf32>
          %swap3A_353 = vector.shape_cast %neg3A_348 : vector<16xf32> to vector<1x16xf32>
          tpu.vector_store %arg10[%swap3A_349, %swap3A_350], %swap3A_353 {add = true, strides = array<i32>} : memref<80x128xf32, #tpu.memory_space<vmem>>, vector<1x16xf32>,
        }
        %scan3A_148 = arith.constant 40 : i32
        %mul3A_149 = arith.constant 80 : i32
        %mul3A_150 = arith.muli %add3A_117, %mul3A_149 : i32
        %add3A_151 = arith.addi %mul3A_0, %mul3A_150 : i32
        %mul3A_152 = arith.constant 128 : i32
        %mul3A_153 = arith.muli %arg0, %mul3A_152 : i32
        %dma_start3A_154 = tpu.memref_slice %arg7[%add3A_151, %mul3A_153] : memref<160000x256xf32, #tpu.memory_space<hbm>> -> memref<80x128xf32, #tpu.memory_space<hbm>>
        %dma_start3A_155 = tpu.memref_slice %arg7[%add3A_151, %mul3A_153] : memref<160000x256xf32, #tpu.memory_space<hbm>> -> memref<80x128xf32, #tpu.memory_space<hbm>>
        tpu.enqueue_dma source(%arg10 : memref<80x128xf32, #tpu.memory_space<vmem>>) target(%dma_start3A_155 : memref<80x128xf32, #tpu.memory_space<hbm>>) target_semaphore(%arg26 : memref<!tpu.dma_semaphore, #tpu.memory_space<semaphore_mem>>)
      } else {
      }
    }
    %scan3A_93 = arith.constant 63 : i32
    %add3A_94 = arith.constant 9840 : i32
    %add3A_95 = arith.addi %mul3A_0, %add3A_94 : i32
    %mul3A_96 = arith.constant 128 : i32
    %mul3A_97 = arith.muli %arg0, %mul3A_96 : i32
    %dma_wait3A_98 = tpu.memref_slice %arg7[%add3A_95, %mul3A_97] : memref<160000x256xf32, #tpu.memory_space<hbm>> -> memref<80x128xf32, #tpu.memory_space<hbm>>
    %dma_wait3A_99 = tpu.memref_slice %arg7[%add3A_95, %mul3A_97] : memref<160000x256xf32, #tpu.memory_space<hbm>> -> memref<80x128xf32, #tpu.memory_space<hbm>>
    tpu.wait_dma2 semaphore(%arg26 : memref<!tpu.dma_semaphore, #tpu.memory_space<semaphore_mem>>) src(%arg10 : memref<80x128xf32, #tpu.memory_space<vmem>>) dst(%dma_wait3A_99 : memref<80x128xf32, #tpu.memory_space<hbm>>)
    %add3A_100 = arith.constant 9920 : i32
    %add3A_101 = arith.addi %mul3A_0, %add3A_100 : i32
    %mul3A_102 = arith.constant 128 : i32
    %mul3A_103 = arith.muli %arg0, %mul3A_102 : i32
    %dma_wait3A_104 = tpu.memref_slice %arg7[%add3A_101, %mul3A_103] : memref<160000x256xf32, #tpu.memory_space<hbm>> -> memref<80x128xf32, #tpu.memory_space<hbm>>
    %dma_wait3A_105 = tpu.memref_slice %arg7[%add3A_101, %mul3A_103] : memref<160000x256xf32, #tpu.memory_space<hbm>> -> memref<80x128xf32, #tpu.memory_space<hbm>>
    tpu.wait_dma2 semaphore(%arg25 : memref<!tpu.dma_semaphore, #tpu.memory_space<semaphore_mem>>) src(%arg9 : memref<80x128xf32, #tpu.memory_space<vmem>>) dst(%dma_wait3A_105 : memref<80x128xf32, #tpu.memory_space<hbm>>)
    "tpu.trace_stop"() : () -> ()
    return
  }
}

module attributes {stable_mosaic.version = 14 : i64} {
  func.func @_mm_body(%arg0: i32, %arg1: memref<8000x256xf32, #tpu.memory_space<vmem>>, %arg2: memref<256x256xbf16, #tpu.memory_space<vmem>>, %arg3: memref<2x8000x128xf32, #tpu.memory_space<vmem>>) attributes {dimension_semantics = [#tpu.dimension_semantics<arbitrary>], iteration_bounds = array<i64: 20>, scalar_prefetch = 0 : i64, scratch_operands = 0 : i64, tpu.core_type = #tpu.core_type<tc>, window_params = [{transform_indices = @transform_0, window_bounds = array<i64: 8000, 256>}, {pipeline_mode = #tpu.pipeline_mode<synchronous>, transform_indices = @transform_1, window_bounds = array<i64: 256, 256>}, {transform_indices = @transform_2, window_bounds = array<i64: 2, 8000, 128>}]} {
    %get3A = arith.constant 0 : index
    %get3A_0 = arith.constant 0 : index
    %get3A_1 = vector.load %arg1[%get3A, %get3A_0] : memref<8000x256xf32, #tpu.memory_space<vmem>>, vector<8000x256xf32>
    %max3A = arith.constant 0.000000e+00 : f32
    %max3A_2 = vector.broadcast %max3A : f32 to vector<8000x256xf32>
    %max3A_3 = arith.maximumf %get3A_1, %max3A_2 : vector<8000x256xf32>
    %convert_element_type3A = arith.truncf %max3A_3 : vector<8000x256xf32> to vector<8000x256xbf16>
    %get3A_4 = arith.constant 0 : index
    %get3A_5 = arith.constant 0 : index
    %get3A_6 = vector.load %arg2[%get3A_4, %get3A_5] : memref<256x256xbf16, #tpu.memory_space<vmem>>, vector<256x256xbf16>
    %dot_general3A = arith.constant dense<0.000000e+00> : vector<8000x256xf32>
    %dot_general3A_7 = tpu.matmul %convert_element_type3A, %get3A_6, %dot_general3A {dimension_numbers = #tpu.dot_dimension_numbers<[1], [0], [0], [1], [0, 0, 1, 1], [], []>, transpose_lhs_hint = false} : vector<8000x256xbf16>, vector<256x256xbf16>, vector<8000x256xf32> -> vector<8000x256xf32>
    %slice3A = vector.extract_strided_slice %dot_general3A_7 {offsets = [0, 0], sizes = [8000, 128], strides = [1, 1]} : vector<8000x256xf32> to vector<8000x128xf32>
    %swap3A = arith.constant 0 : index
    %swap3A_8 = arith.constant 0 : index
    %swap3A_9 = arith.constant 0 : index
    %swap3A_10 = vector.load %arg3[%swap3A, %swap3A_8, %swap3A_9] : memref<2x8000x128xf32, #tpu.memory_space<vmem>>, vector<1x8000x128xf32>
    %swap3A_11 = vector.shape_cast %swap3A_10 : vector<1x8000x128xf32> to vector<8000x128xf32>
    %swap3A_12 = vector.shape_cast %slice3A : vector<8000x128xf32> to vector<1x8000x128xf32>
    tpu.vector_store %arg3[%swap3A, %swap3A_8, %swap3A_9], %swap3A_12 {strides = array<i32>} : memref<2x8000x128xf32, #tpu.memory_space<vmem>>, vector<1x8000x128xf32>,
    %slice3A_13 = vector.extract_strided_slice %dot_general3A_7 {offsets = [0, 128], sizes = [8000, 128], strides = [1, 1]} : vector<8000x256xf32> to vector<8000x128xf32>
    %swap3A_14 = arith.constant 1 : index
    %swap3A_15 = arith.constant 0 : index
    %swap3A_16 = arith.constant 0 : index
    %swap3A_17 = vector.load %arg3[%swap3A_14, %swap3A_15, %swap3A_16] : memref<2x8000x128xf32, #tpu.memory_space<vmem>>, vector<1x8000x128xf32>
    %swap3A_18 = vector.shape_cast %swap3A_17 : vector<1x8000x128xf32> to vector<8000x128xf32>
    %swap3A_19 = vector.shape_cast %slice3A_13 : vector<8000x128xf32> to vector<1x8000x128xf32>
    tpu.vector_store %arg3[%swap3A_14, %swap3A_15, %swap3A_16], %swap3A_19 {strides = array<i32>} : memref<2x8000x128xf32, #tpu.memory_space<vmem>>, vector<1x8000x128xf32>,
    return
  }
  func.func @transform_0(%arg0: i32) -> (i32, i32) {
    %c0_i32 = arith.constant 0 : i32
    %c0_i32_0 = arith.constant 0 : i32
    return %arg0, %c0_i32 : i32, i32
  }
  func.func @transform_1(%arg0: i32) -> (i32, i32) {
    %c0_i32 = arith.constant 0 : i32
    %c0_i32_0 = arith.constant 0 : i32
    %c0_i32_1 = arith.constant 0 : i32
    return %c0_i32, %c0_i32_0 : i32, i32
  }
  func.func @transform_2(%arg0: i32) -> (i32, i32, i32) {
    %c0_i32 = arith.constant 0 : i32
    %c0_i32_0 = arith.constant 0 : i32
    %c0_i32_1 = arith.constant 0 : i32
    return %c0_i32, %arg0, %c0_i32_0 : i32, i32, i32
  }
}

</mosaic_0001>

<sc_bundles>
// kernel: kernel.4.cloned.1.call-start
scs
__scs_entry_jumppad:
0x0: {  	(pc) =	sbr.rel $0x88, $3  }
0x1: {  	(tag) =	ssettag $0x0;
	lr =	simm.s32 $0x1  }
0x2: {  	[smem:$0x3F9C] =	sst lr;
	_ =	strace $0xD0000000  }
0x3: {  	_ = 	snop  }
0x4: {  	_ = 	snop  }
0x5: {  	_ = 	snop  }
0x6: {  	_ = 	snop  }
0x7: {  	_ = 	snop  }
__scs_overlays_trampoline_lowered:
0x8: {  	[smem:$0x3FAB] =	sst s0  }
0x9: {  	[smem:$0x3FAC] =	sst s1  }
0xa: {  	[smem:$0x3FAD] =	sst s2  }
0xb: {  	[smem:$0x3FAE] =	sst s3  }
0xc: {  	[smem:$0x3FAF] =	sst s4  }
0xd: {  	[smem:$0x3FB0] =	sst s5  }
0xe: {  	[smem:$0x3FB1] =	sst s6  }
0xf: {  	[smem:$0x3FB2] =	sst s7  }
0x10: {  	[smem:$0x3FB3] =	sst s8  }
0x11: {  	[smem:$0x3FB4] =	sst s9;
	s0 =	simm.s32 @!p0 $0x0  }
0x12: {  	s1 =	sld [smem:$0x3F9A];
	s0 =	simm.s32 @p0 $0x1  }
0x13: {  	[smem:$0x3FB5] =	sst s0;
	s0 =	simm.s32 @!p1 $0x0  }
0x14: {  	s2 =	sld [smem:$0x3F99];
	s0 =	simm.s32 @p1 $0x1  }
0x15: {  	[smem:$0x3FB6] =	sst s0;
	s0 =	simm.s32 @!p2 $0x0  }
0x16: {  	s3 =	sld [smem:$0x3FDB];
	s0 =	simm.s32 @p2 $0x1  }
0x17: {  	s4 =	simm.s32 $0x1BF5;
	[smem:$0x3FB8] =	sst s0  }
0x18: {  	s0 =	sld [smem:$0x3F9B];
	_ =	swait.ge [sflag:s4], $0x0  }
0x19: {  	s7 =	sld [smem:$0x3F9C]  }
0x1a: {  	s8 =	sadd.s32 $0xFFFFE003, lr  }
0x1b: {  	s9 =	sadd.s32 $0xFFFFFEF7, lr;
	s5 =	simm.s32 $0xFFFFFFFF;
	p2 =	slt.u32 s8, $0xFFFFF086  }
0x1c: {  	p1 =	slt.u32 s9, $0xF7A;
	s5 =	simm.s32 @!p2 $0x0  }
0x1d: {  	s5 =	simm.s32 @p1 $0x1;
	p0 =	seq.s32 s7, s2  }
0x1e: {  	s7 =	smul.u32 @!p0 $0xF7A, s2;
	p2 =	seq.s32 @!p0 s5, $0x0  }
0x1f: {  	s9 =	smul.u32 $0xF7A, s1;
	s8 =	simm.s32 @!p0 $0x1BF5;
	p2 =	por !p2, p0  }
0x20: {  	[sflag:s8] =	ssyncset.s32 @!p0 $0xFFFFF086;
	s6 =	sadd.s32 @!p0 s3, s7;
	s7 =	simm.s32 @!p0 $0x108  }
0x21: {  	s3 =	sadd.s32 s3, s9;
	s6 =	sadd.s32 @!p0 $0x88, s6;
	s7 =	simm.s32 @p2 $0x1082  }
0x22: {  	[simem:s7], [sflag:s8] =	dma.local @!p0 [hbm:s6], $0xF7A  }
0x23: {  	s9 =	sor.u32 $0xD0000000, s2;
	s6 =	simm.s32 $0x108;
	_ =	swait.ge @!p0 [sflag:s8], $0x0  }
0x24: {  	s3 =	sadd.s32 $0x88, s3;
	s6 =	simm.s32 @!p1 $0x1082;
	[sflag:s4] =	ssyncset.s32 $0xFFFFF086  }
0x25: {  	[simem:s6], [sflag:s4] =	dma.local [hbm:s3], $0xF7A  }
0x26: {  	[smem:$0x3F9C] =	sst s1;
	(tag) =	ssettag s2;
	_ =	strace s9  }
0x27: {  	s1 =	sld [smem:$0x3FAC]  }
0x28: {  	s2 =	sld [smem:$0x3FAD]  }
0x29: {  	s4 =	sld [smem:$0x3FAF]  }
0x2a: {  	p0 =	seq.s32 s5, $0x0;
	s5 =	sld [smem:$0x3FB0]  }
0x2b: {  	s6 =	sld [smem:$0x3FB1]  }
0x2c: {  	s7 =	sld [smem:$0x3FB2]  }
0x2d: {  	s3 =	simm.s32 $0x108;
	s8 =	sld [smem:$0x3FB3]  }
0x2e: {  	s3 =	simm.s32 @!p0 $0x1082;
	s9 =	sld [smem:$0x3FB4]  }
0x2f: {  	lr =	sadd.s32 s0, s3;
	s0 =	sld [smem:$0x3FAB]  }
0x30: {  	s3 =	sld [smem:$0x3FAE]  }
0x31: {  	[smem:$0x3FB7] =	sst s10  }
0x32: {  	s10 =	sld [smem:$0x3FB5];
	_ =	sdelay $0x3  }
0x33: {  	p0 =	seq.s32 s10, $0x1;
	s10 =	sld [smem:$0x3FB7];
	_ =	sdelay $0x3  }
0x34: {  	[smem:$0x3FB7] =	sst s10  }
0x35: {  	s10 =	sld [smem:$0x3FB6];
	_ =	sdelay $0x3  }
0x36: {  	p1 =	seq.s32 s10, $0x1;
	s10 =	sld [smem:$0x3FB7];
	_ =	sdelay $0x3  }
0x37: {  	[smem:$0x3FB7] =	sst s10  }
0x38: {  	s10 =	sld [smem:$0x3FB8]  }
0x39: {  	_ = 	snop;
	(pc) =	sbr.ind lr, $3  }
0x3a: {  	_ = 	snop  }
0x3b: {  	_ = 	snop  }
0x3c: {  	p2 =	seq.s32 s10, $0x1;
	s10 =	sld [smem:$0x3FB7]  }
0x3d: {  	_ =	shalt  }
0x3e: {  	_ =	shalt  }
0x3f: {  	_ =	shalt  }
0x40: {  	_ =	shalt  }
0x41: {  	_ =	shalt  }
0x42: {  	_ =	shalt  }
0x43: {  	_ =	shalt  }
0x44: {  	_ =	shalt  }
0x45: {  	_ =	shalt  }
0x46: {  	_ =	shalt  }
0x47: {  	_ =	shalt  }
0x48: {  	_ =	shalt  }
0x49: {  	_ =	shalt  }
0x4a: {  	_ =	shalt  }
0x4b: {  	_ =	shalt  }
0x4c: {  	_ =	shalt  }
0x4d: {  	_ =	shalt  }
0x4e: {  	_ =	shalt  }
0x4f: {  	_ =	shalt  }
0x50: {  	_ =	shalt  }
0x51: {  	_ =	shalt  }
0x52: {  	_ =	shalt  }
0x53: {  	_ =	shalt  }
0x54: {  	_ =	shalt  }
0x55: {  	_ =	shalt  }
0x56: {  	_ =	shalt  }
0x57: {  	_ =	shalt  }
0x58: {  	_ =	shalt  }
0x59: {  	_ =	shalt  }
0x5a: {  	_ =	shalt  }
0x5b: {  	_ =	shalt  }
0x5c: {  	_ =	shalt  }
0x5d: {  	_ =	shalt  }
0x5e: {  	_ =	shalt  }
0x5f: {  	_ =	shalt  }
0x60: {  	_ =	shalt  }
0x61: {  	_ =	shalt  }
0x62: {  	_ =	shalt  }
0x63: {  	_ =	shalt  }
0x64: {  	_ =	shalt  }
0x65: {  	_ =	shalt  }
0x66: {  	_ =	shalt  }
0x67: {  	_ =	shalt  }
0x68: {  	_ =	shalt  }
0x69: {  	_ =	shalt  }
0x6a: {  	_ =	shalt  }
0x6b: {  	_ =	shalt  }
0x6c: {  	_ =	shalt  }
0x6d: {  	_ =	shalt  }
0x6e: {  	_ =	shalt  }
0x6f: {  	_ =	shalt  }
0x70: {  	_ =	shalt  }
0x71: {  	_ =	shalt  }
0x72: {  	_ =	shalt  }
0x73: {  	_ =	shalt  }
0x74: {  	_ =	shalt  }
0x75: {  	_ =	shalt  }
0x76: {  	_ =	shalt  }
0x77: {  	_ =	shalt  }
0x78: {  	_ =	shalt  }
0x79: {  	_ =	shalt  }
0x7a: {  	_ =	shalt  }
0x7b: {  	_ =	shalt  }
0x7c: {  	_ =	shalt  }
0x7d: {  	_ =	shalt  }
0x7e: {  	_ =	shalt  }
0x7f: {  	_ =	shalt  }
0x80: {  	_ =	shalt  }
0x81: {  	_ =	shalt  }
0x82: {  	_ =	shalt  }
0x83: {  	_ =	shalt  }
0x84: {  	_ =	shalt  }
0x85: {  	_ =	shalt  }
0x86: {  	_ =	shalt  }
0x87: {  	_ =	shalt  }
.Lfunc_end0:
.L_simem_size_0:
called_computation_lowered:
.L_overlay_start_0:
0x88: {  	s2 =	sld [smem:$0x3FD9]  }
0x89: {  	s3 =	sld [smem:$0x3FFE];
	_ =	sdelay $0x1  }
0x8a: {  	s1 =	srdreg.scid  }
0x8b: {  	s0 =	sand.u32 $0x1, s1  }
0x8c: {  	s17 =	sshll.u32 s0, $0xA;
	s2 =	sadd.s32 s3, s2  }
0x8d: {  	s2 =	sadd.s32 s2, s17  }
0x8e: {  	[smem:$0x3FC3] =	sst s2  }
0x8f: {  	_ = 	snop  }
0x90: {  	s2 =	sld [smem:$0x3FD0];
	(tm) =	ssettm $0x1  }
0x91: {  	s18 =	sld [smem:$0x3FFB];
	_ =	sdelay $0x3  }
0x92: {  	_ =	strace s18  }
0x93: {  	s3 =	sld [smem:$0x3FFC];
	_ =	sdelay $0x3  }
0x94: {  	_ =	strace s3  }
0x95: {  	s3 =	sld [smem:$0x3FFD];
	_ =	sdelay $0x3  }
0x96: {  	_ =	strace s3  }
0x97: {  	_ =	strace $0x8FFFFFFF  }
0x98: {  	s19 =	sld [smem:$0x3FDB];
	_ =	sdelay $0x1  }
0x99: {  	s4 =	simm.s32 $_scs_section_size  }
0x9a: {  	s5 =	simm.s32 $_size__tile_overlayer_lowered;
	s6 =	simm.s32 $_tile_overlayer_lowered  }
0x9b: {  	s22 =	simm.s32 $0x1BFF;
	s21 =	sshll.u32 s6, $0x1;
	s3 =	sadd.s32 s4, s19  }
0x9c: {  	s7 =	simm.s32 $0x0;
	s20 =	sshll.u32 s5, $0x1;
	s5 =	sadd.s32 s21, s3  }
0x9d: {  	[timem:s7], [sflag:s22] =	dma.local [hbm:s5], s20  }
0x9e: {  	_ =	swait.ge [sflag:s22], s20  }
0x9f: {  	s4 =	ssub.s32 $0x0, s20;
	[sflag:s22] =	ssyncset.done $0x0  }
0xa0: {  	[sflag:s22] =	ssyncadd.s32 s4;
	_ =	sdelay $0x1  }
0xa1: {  	s23 =	simm.s32 $0x1B8B  }
0xa2: {  	_ =	swait.ge [sflag:s23], $0x1  }
0xa3: {  	[sflag:s23] =	ssyncset.done $0x0  }
0xa4: {  	s25 =	simm.s32 $0x1B8E;
	s24 =	sld [smem:$0x3FFE];
	[sflag:s23] =	ssyncadd.s32 $0xFFFFFFFF  }
0xa5: {  	s26 =	simm.s32 $execute0_lowered;
	[smem:$0x3FD2] =	sst s25  }
0xa6: {  	s5 =	sshll.u32 s26, $0x1;
	_ =	strace $0x80000046;
	[dreg:$0x1] =	wrdreg $0xFFFFFFFF  }
0xa7: {  	s28 =	simm.s32 $_size_execute0_lowered;
	s3 =	sadd.s32 s3, s5;
	[dreg:$0x0] =	wrdreg $0x0  }
0xa8: {  	s5 =	sshll.u32 s28, $0x1;
	[dreg:$0x2] =	wrdreg s3  }
0xa9: {  	[dreg:$0x3] =	wrdreg s5  }
0xaa: {  	[dreg:$0x4] =	wrdreg $0xC0  }
0xab: {  	_ =	task [dreg:s7], $0x5FFFF  }
0xac: {  	[dreg:$0x1] =	wrdreg $0xFFFFFFFF  }
0xad: {  	[dreg:$0x0] =	wrdreg $0x60  }
0xae: {  	[dreg:$0x2] =	wrdreg s24  }
0xaf: {  	[dreg:$0x3] =	wrdreg s2  }
0xb0: {  	[dreg:$0x4] =	wrdreg $0x0  }
0xb1: {  	[dreg:$0x5] =	wrdreg $0x9  }
0xb2: {  	_ =	task.clear_ibuf [dreg:s7], $0x6FFFF;
	_ =	strace $0x90000046  }
0xb3: {  	s29 =	simm.s32 $0x9;
	_ =	strace $0x8000004A  }
0xb4: {  	_ =	swait.ge [sflag:s29], $0x1  }
0xb5: {  	[sflag:s29] =	ssyncadd.s32 $0xFFFFFFFF  }
0xb6: {  	_ =	strace $0x9000004A  }
0xb7: {  	_ =	sfence  }
0xb8: {  	s30 =	sld [smem:$0x0];
	_ =	sdelay $0x2  }
0xb9: {  	s31 =	sshll.u32 s1, $0xD;
	s1 =	sshrl.u32 s1, $0x2  }
0xba: {  	s3 =	sand.u32 $0x4000, s31;
	s1 =	sadd.s32 s1, s30  }
0xbb: {  	s0 =	sor.u32 s3, s0;
	s1 =	sshll.u32 s1, $0x11  }
0xbc: {  	s0 =	sor.u32 s1, s0  }
0xbd: {  	s0 =	sadd.s32 $0x8F2B, s0  }
0xbe: {  	[sflag:s0] =	ssyncadd.remote.s32 $0x1  }
0xbf: {  	_ =	sfence.sel $0xFFFF  }
0xc0: {  	[dreg:$0x0] =	wrdreg $0xFFFFFFFF;
	(pc) =	sbr.abs _section_cstart, $3  }
0xc1: {  	[dreg:$0x1] =	wrdreg $0xFFFFFFFF  }
0xc2: {  	_ =	task.clear_ibuf [dreg:s7], $0x2FFFF;
	_ =	strace $0x9FFFFFFF  }
0xc3: {  	(tm) =	ssettm $0x7FFFFFFF  }
tec
execute0_lowered:
.L_overlay_start_1:
0x0: {  	(tag) =	ssettag $0x1  }
0x1: {  	s0 =	rddreg [dreg:$0x0]  }
0x2: {  	s3 =	rddreg [dreg:$0x1];
	s2 =	simm.s32 $0x0;
	s8 =	srdreg.scid  }
0x3: {  	[smem:$0x7FF] =	sst s2;
	s2 =	stileid.u32  }
0x4: {  	s1 =	rddreg [dreg:$0x2];
	s10 =	sand.u32 $0x1, s8;
	s8 =	smul.u32 $0x2710, s2  }
0x5: {  	s13 =	simm.s32 $0x8;
	s28 =	simm.s32 $0x13880;
	s11 =	smul.u32 $0x27100, s10  }
0x6: {  	s29 =	simm.s32 $0x1D880;
	s4 =	sadd.s32 $0x14000, s0;
	s23 =	smul.u32 $0x138800, s10  }
0x7: {  	s5 =	sadd.s32 $0xF000, s0;
	s6 =	sadd.s32 $0xA000, s0;
	s31 =	smul.u32 $0x2800, s2  }
0x8: {  	s22 =	ssub.s32 $0x2, s10;
	s17 =	sshll.u32 s10, $0x7;
	s10 =	smul.u32 $0x271000, s10  }
0x9: {  	s7 =	sadd.s32 $0x200, s0;
	s9 =	sadd.s32 $0x4F6000, s0;
	s20 =	smul.u32 $0x27100, s2  }
0xa: {  	_ =	strace $0x80000047;
	p0 =	slt.u32 s2, $0xD;
	s21 =	smul.u32 $0xA000, s2  }
0xb: {  	s12 =	sshrl.u32 s22, $0x1;
	s13 =	simm.s32 @!p0 $0x7;
	s18 =	sadd.s32 s3, s17  }
0xc: {  	s3 =	simm.s32 $0x5;
	s17 =	simm.s32 $0x9;
	s0 =	ssub.s32 s22, s12  }
0xd: {  	[dreg:$0x4] =	wrdreg s13;
	s11 =	sadd.s32 s8, s11;
	s25 =	sshrl.u32 s8, $0x3  }
0xe: {  	s12 =	sadd.s32 s31, s23;
	s10 =	sadd.s32 s10, s4;
	s23 =	smul.u32 $0x4E2, s2  }
0xf: {  	s24 =	sshll.u32 s11, $0x4;
	s14 =	sadd.s32 $0x50, s11;
	s16 =	sadd.s32 s5, s25  }
0x10: {  	s26 =	sadd.s32 $0xA, s25;
	s19 =	sshrl.u32 s11, $0x3;
	[dreg:$0xb] =	wrdreg s12  }
0x11: {  	s20 =	sadd.s32 s20, s10;
	s0 =	smax.u32 s0, $0x1;
	[dreg:$0x6] =	wrdreg s16  }
0x12: {  	s10 =	simm.s32 $0x0;
	s13 =	sadd.s32 s4, s24;
	[dreg:$0xe] =	wrdreg s0  }
0x13: {  	s15 =	sshll.u32 s14, $0x4;
	s30 =	sadd.s32 s5, s26;
	[dreg:$0x5] =	wrdreg s13  }
0x14: {  	s16 =	sadd.s32 s7, s19;
	s22 =	sshrl.u32 s14, $0x3;
	[dreg:$0x8] =	wrdreg s30  }
0x15: {  	s24 =	sadd.s32 s6, s26;
	s26 =	sshrl.u32 s21, $0x2;
	[dreg:$0xa] =	wrdreg s16  }
0x16: {  	s31 =	sadd.s32 s23, s5;
	s15 =	sadd.s32 s4, s15;
	[dreg:$0xc] =	wrdreg s24  }
0x17: {  	s14 =	simm.s32 $0x16080;
	s13 =	sadd.s32 s6, s25;
	[dreg:$0x7] =	wrdreg s15  }
.Ltmp0:
0x18: {  	s25 =	sadd.s32 s7, s22;
	[dreg:$0x9] =	wrdreg s13;
	(pc) =	sbr.rel .LBB2_1-.Ltmp0, $4  }
0x19: {  	s23 =	simm.s32 $0x1D900;
	s30 =	sadd.s32 s26, s1;
	[dreg:$0xd] =	wrdreg s25  }
0x1a: {  	s21 =	simm.s32 $0x7;
	s0 =	sadd.s32 $0x32, s31;
	[dreg:$0xf] =	wrdreg s30  }
0x1b: {  	s26 =	simm.s32 $0xB;
	s22 =	simm.s32 $0x3;
	[dreg:$0x10] =	wrdreg s0  }
0x1c: {  	s0 =	simm.s32 $0x1;
	s25 =	simm.s32 $0x1D980;
	s15 =	simm.s32 $0x50  }
.LBB2_15:
0x1d: {  	_ =	swait.ge [sflag:s31], $0x2800  }
0x1e: {  	[sflag:s31] =	ssyncset.done $0x0  }
0x1f: {  	[sflag:s31] =	ssyncadd.s32 $0xFFFFD800  }
0x20: {  	_ =	swait.ge [sflag:s17], $0x2800  }
0x21: {  	s10 =	rddreg [dreg:$0x11]  }
0x22: {  	s2 =	rddreg [dreg:$0xe];
	s10 =	sadd.s32 $0x1, s10  }
0x23: {  	p0 =	sne.s32 s10, s2  }
.Ltmp1:
0x24: {  	_ = 	snop;
	(pc) =	sbr.rel @!p0 .LBB2_16-.Ltmp1, $4  }
0x25: {  	_ = 	snop  }
0x26: {  	[sflag:s17] =	ssyncset.done $0x0  }
0x27: {  	[sflag:s17] =	ssyncadd.s32 $0xFFFFD800  }
0x28: {  	_ =	strace $0x90000049  }
.LBB2_1:
0x29: {  	[dreg:$0x11] =	wrdreg s10  }
0x2a: {  	s2 =	stileid.u32;
	s24 =	rddreg [dreg:$0xb]  }
0x2b: {  	s12 =	rddreg [dreg:$0xf];
	s30 =	sshll.u32 s2, $0x6;
	s16 =	sshrl.u32 s24, $0x3  }
0x2c: {  	s19 =	sshrl.u32 s12, $0x3;
	s16 =	sadd.s32 s9, s16;
	s10 =	sor.u32 $0x1C0B, s30  }
0x2d: {  	[spmem:s19], [sflag:s10] =	dma.local [hbm:s16], $0x500  }
0x2e: {  	s31 =	rddreg [dreg:$0x4]  }
0x2f: {  	p0 =	sne.s32 s31, $0x1  }
.Ltmp2:
0x30: {  	_ = 	snop;
	(pc) =	sbr.rel @!p0 .LBB2_3-.Ltmp2, $2  }
0x31: {  	_ =	sdelay $0x2  }
0x32: {  	s19 =	sadd.s32 $0x28000, s12;
	s16 =	sadd.s32 $0xFFFFFFFF, s31  }
.LBB2_2:
0x33: {  	_ =	swait.ge [sflag:s26], $0x500  }
0x34: {  	s24 =	sadd.s32 $0x28000, s24;
	s2 =	sshrl.u32 s19, $0x3;
	p0 =	sne.s32 s16, $0x1  }
.Ltmp3:
0x35: {  	s30 =	sshrl.u32 s24, $0x3;
	[sflag:s26] =	ssyncset.done $0x0;
	(pc) =	sbr.rel @p0 .LBB2_2-.Ltmp3, $4  }
0x36: {  	s30 =	sadd.s32 s9, s30;
	[sflag:s26] =	ssyncadd.s32 $0xFFFFFB00  }
0x37: {  	[spmem:s2], [sflag:s10] =	dma.local [hbm:s30], $0x500  }
0x38: {  	s16 =	sadd.s32 $0xFFFFFFFF, s16  }
0x39: {  	s19 =	sadd.s32 $0x28000, s19  }
.LBB2_3:
0x3a: {  	_ =	swait.ge [sflag:s26], $0x500  }
0x3b: {  	[sflag:s26] =	ssyncset.done $0x0  }
0x3c: {  	[sflag:s26] =	ssyncadd.s32 $0xFFFFFB00  }
0x3d: {  	[bflag:$0x0] =	sbarrier.arrive $0xFFFF  }
0x3e: {  	_ =	strace $0x80000048  }
0x3f: {  	s16 =	simm.s32 $0x0;
	s2 =	rddreg [dreg:$0x5]  }
0x40: {  	[tilespmem:s28], [sflag:$0x1] =	stream.linear.gather [hbm4b:s2+s16], $0x2800, $0x200038;
	[tilespmem:$0x1DA80] =	vst v63  }
0x41: {  	s19 =	rddreg [dreg:$0x6]  }
0x42: {  	[tilespmem:s29], [sflag:$0x5] =	stream.linear.gather [hbm4b:s19+s16], $0x50, $0x200038;
	[tilespmem:$0x1DA80] =	vst v63  }
.Ltmp4:
0x43: {  	s24 =	rddreg [dreg:$0x7];
	(pc) =	sbr.rel .LBB2_4-.Ltmp4, $4  }
0x44: {  	s30 =	simm.s32 $0x0;
	s31 =	rddreg [dreg:$0x8]  }
0x45: {  	[tilespmem:s14], [sflag:$0x2] =	stream.linear.gather [hbm4b:s24+s16], $0x2800, $0x200038;
	[tilespmem:$0x1DA80] =	vst v63  }
0x46: {  	s10 =	rddreg [dreg:$0x10];
	s19 =	simm.s32 $0xF0;
	s24 =	simm.s32 $0x2  }
0x47: {  	[tilespmem:s23], [sflag:$0x6] =	stream.linear.gather [hbm4b:s31+s16], $0x50, $0x200038;
	[tilespmem:$0x1DA80] =	vst v63  }
.LBB2_6:
0x48: {  	[spmem:s1] =	stream.indirect.scatter.add.f32 [tilespmem:s28], [sflag:$0x9], $0x80, s29, s15, $0x2000b8;
	[tilespmem:$0x1DA80] =	vst v63  }
0x49: {  	p0 =	sgt.u32 s30, $0x1E  }
0x4a: {  	s2 =	simm.s32 @!p0 $0x2  }
0x4b: {  	_ =	swait.ge @!p0 [sflag:s2], $0x2800  }
0x4c: {  	[sflag:s2] =	ssyncset.done @!p0 $0x0  }
0x4d: {  	[sflag:s2] =	ssyncadd.s32 @!p0 $0xFFFFD800;
	s2 =	simm.s32 @!p0 $0x6  }
0x4e: {  	p2 =	seq.s32 @!p0 s16, $0x0;
	_ =	swait.ge @!p0 [sflag:s2], $0x50  }
0x4f: {  	s13 =	smov.u32 s19;
	p3 =	por p2, p0;
	[sflag:s2] =	ssyncset.done @!p0 $0x0  }
0x50: {  	p2 =	por !p2, p0;
	[sflag:s2] =	ssyncadd.s32 @!p0 $0xFFFFFFB0;
	s2 =	simm.s32 @!p3 $0xA  }
0x51: {  	s13 =	simm.s32 @!p2 $0xF0;
	_ =	swait.ge @!p3 [sflag:s2], $0x2800  }
0x52: {  	s14 =	sadd.s32 @!p0 s11, s13;
	[sflag:s2] =	ssyncset.done @!p3 $0x0  }
0x53: {  	[sflag:s2] =	ssyncadd.s32 @!p3 $0xFFFFD800;
	s2 =	sshll.u32 @!p0 s14, $0x4  }
0x54: {  	s12 =	simm.s32 @!p0 $0x1B080;
	s14 =	simm.s32 @!p0 $0x0;
	s2 =	sadd.s32 @!p0 s4, s2  }
0x55: {  	[tilespmem:s12], [sflag:$0x4] =	stream.linear.gather @!p0 [hbm4b:s2+s14], $0x2800, $0x200038;
	[tilespmem:$0x1DA80] =	vst v63  }
0x56: {  	s2 =	sadd.s32 @!p0 s8, s13  }
0x57: {  	s2 =	sshrl.u32 @!p0 s2, $0x3  }
0x58: {  	s13 =	simm.s32 @!p0 $0x1DA00;
	s2 =	sadd.s32 @!p0 s5, s2  }
0x59: {  	[tilespmem:s13], [sflag:$0x8] =	stream.linear.gather @!p0 [hbm4b:s2+s14], $0x50, $0x200038;
	[tilespmem:$0x1DA80] =	vst v63  }
0x5a: {  	s31 =	simm.s32 @!p0 $0x16080;
	s2 =	simm.s32 @!p0 $0x50;
	s14 =	simm.s32 @!p0 $0x1D900  }
0x5b: {  	[spmem:s1] =	stream.indirect.scatter.add.f32 @!p0 [tilespmem:s31], [sflag:$0xA], $0x80, s14, s2, $0x2000b8;
	[tilespmem:$0x1DA80] =	vst v63  }
0x5c: {  	s14 =	simm.s32 @p1 $0x3  }
0x5d: {  	_ =	swait.ge @p1 [sflag:s14], $0x2800  }
0x5e: {  	[sflag:s14] =	ssyncset.done @p1 $0x0  }
0x5f: {  	[sflag:s14] =	ssyncadd.s32 @p1 $0xFFFFD800;
	s14 =	simm.s32 @p1 $0x7  }
0x60: {  	_ =	swait.ge @p1 [sflag:s14], $0x50  }
0x61: {  	[sflag:s14] =	ssyncset.done @p1 $0x0  }
0x62: {  	[sflag:s14] =	ssyncadd.s32 @p1 $0xFFFFFFB0;
	s14 =	simm.s32 @p1 $0x9  }
0x63: {  	p2 =	seq.s32 @p1 s16, $0x26C00;
	_ =	swait.ge @p1 [sflag:s14], $0x2800  }
0x64: {  	p2 =	por p2, !p1;
	[sflag:s14] =	ssyncset.done @p1 $0x0  }
0x65: {  	[sflag:s14] =	ssyncadd.s32 @p1 $0xFFFFD800;
	s14 =	sadd.s32 @!p2 s16, s20  }
0x66: {  	s23 =	simm.s32 @!p2 $0x13880;
	s31 =	simm.s32 @!p2 $0x0;
	s14 =	sadd.s32 @!p2 $0x1400, s14  }
0x67: {  	[tilespmem:s23], [sflag:$0x1] =	stream.linear.gather @!p2 [hbm4b:s14+s31], $0x2800, $0x200038;
	[tilespmem:$0x1DA80] =	vst v63  }
0x68: {  	s14 =	sadd.s32 @!p2 $0xFFFFFFF6, s10;
	s23 =	simm.s32 @!p2 $0x1D880  }
0x69: {  	[tilespmem:s23], [sflag:$0x5] =	stream.linear.gather @!p2 [hbm4b:s14+s31], $0x50, $0x200038;
	[tilespmem:$0x1DA80] =	vst v63  }
0x6a: {  	s14 =	simm.s32 @p1 $0x50;
	s23 =	simm.s32 @p1 $0x1D980;
	s31 =	simm.s32 @p1 $0x18880  }
0x6b: {  	[spmem:s1] =	stream.indirect.scatter.add.f32 @p1 [tilespmem:s31], [sflag:$0x9], $0x80, s23, s14, $0x2000b8;
	[tilespmem:$0x1DA80] =	vst v63  }
0x6c: {  	s14 =	simm.s32 @!p0 $0x4  }
0x6d: {  	_ =	swait.ge @!p0 [sflag:s14], $0x2800  }
0x6e: {  	[sflag:s14] =	ssyncset.done @!p0 $0x0  }
0x6f: {  	[sflag:s14] =	ssyncadd.s32 @!p0 $0xFFFFD800;
	s14 =	simm.s32 @!p0 $0x8  }
0x70: {  	_ =	swait.ge @!p0 [sflag:s14], $0x50  }
0x71: {  	[sflag:s14] =	ssyncset.done @!p0 $0x0  }
0x72: {  	[sflag:s14] =	ssyncadd.s32 @!p0 $0xFFFFFFB0;
	s14 =	simm.s32 @!p0 $0xA  }
0x73: {  	p1 =	seq.s32 @!p0 s16, $0x25800;
	_ =	swait.ge @!p0 [sflag:s14], $0x2800  }
0x74: {  	p1 =	por p1, p0;
	[sflag:s14] =	ssyncset.done @!p0 $0x0  }
0x75: {  	[sflag:s14] =	ssyncadd.s32 @!p0 $0xFFFFD800;
	s14 =	sadd.s32 @!p1 s16, s20  }
0x76: {  	s23 =	simm.s32 @!p1 $0x0;
	s31 =	simm.s32 @!p1 $0x16080;
	s14 =	sadd.s32 @!p1 $0x1900, s14  }
0x77: {  	[tilespmem:s31], [sflag:$0x2] =	stream.linear.gather @!p1 [hbm4b:s14+s23], $0x2800, $0x200038;
	[tilespmem:$0x1DA80] =	vst v63  }
0x78: {  	s14 =	simm.s32 @!p1 $0x1D900  }
0x79: {  	[tilespmem:s14], [sflag:$0x6] =	stream.linear.gather @!p1 [hbm4b:s10+s23], $0x50, $0x200038;
	[tilespmem:$0x1DA80] =	vst v63  }
0x7a: {  	s16 =	sadd.s32 $0x1400, s16  }
0x7b: {  	[spmem:s1] =	stream.indirect.scatter.add.f32 @!p0 [tilespmem:s12], [sflag:$0xA], $0x80, s13, s2, $0x2000b8;
	[tilespmem:$0x1DA80] =	vst v63  }
0x7c: {  	p0 =	sne.s32 s16, $0x28000  }
.Ltmp5:
0x7d: {  	_ = 	snop;
	(pc) =	sbr.rel @!p0 .LBB2_7-.Ltmp5, $3  }
0x7e: {  	_ =	sdelay $0x1  }
0x7f: {  	s30 =	sadd.s32 $0x1, s30  }
0x80: {  	s19 =	sadd.s32 $0x140, s19;
	s24 =	sadd.s32 $0x4, s24;
	s10 =	sadd.s32 $0x28, s10  }
.LBB2_4:
0x81: {  	_ =	swait.ge [sflag:s0], $0x2800  }
0x82: {  	p0 =	seq.s32 s16, $0x0;
	[sflag:s0] =	ssyncset.done $0x0  }
0x83: {  	p1 =	sgt.u32 @!p0 s24, $0x7C;
	[sflag:s0] =	ssyncadd.s32 $0xFFFFD800  }
0x84: {  	p2 =	por p0, !p1;
	_ =	swait.ge [sflag:s3], $0x50  }
.Ltmp6:
0x85: {  	[sflag:s3] =	ssyncset.done $0x0;
	(pc) =	sbr.rel @!p2 .LBB2_6-.Ltmp6, $4  }
0x86: {  	s2 =	simm.s32 @!p0 $0x9;
	[sflag:s3] =	ssyncadd.s32 $0xFFFFFFB0  }
0x87: {  	_ =	swait.ge @!p0 [sflag:s2], $0x2800  }
0x88: {  	[sflag:s2] =	ssyncset.done @!p0 $0x0  }
0x89: {  	p1 =	por @!p0 $0x0, $0x0;
	[sflag:s2] =	ssyncadd.s32 @!p0 $0xFFFFD800  }
0x8a: {  	s2 =	smov.u32 s24  }
0x8b: {  	s2 =	simm.s32 @p0 $0x2  }
0x8c: {  	s2 =	smul.u32 $0x50, s2;
	_ =	sdelay $0x1  }
0x8d: {  	s12 =	simm.s32 $0x0;
	s13 =	sadd.s32 s11, s2  }
.Ltmp7:
0x8e: {  	s2 =	sadd.s32 s8, s2;
	s13 =	sshll.u32 s13, $0x4;
	(pc) =	sbr.rel .LBB2_6-.Ltmp7, $4  }
0x8f: {  	s14 =	simm.s32 $0x18880;
	s2 =	sshrl.u32 s2, $0x3;
	s13 =	sadd.s32 s4, s13  }
0x90: {  	[tilespmem:s14], [sflag:$0x3] =	stream.linear.gather [hbm4b:s13+s12], $0x2800, $0x200038;
	[tilespmem:$0x1DA80] =	vst v63  }
0x91: {  	p1 =	por $0x1, $0x1;
	s2 =	sadd.s32 s5, s2  }
0x92: {  	[tilespmem:s25], [sflag:$0x7] =	stream.linear.gather [hbm4b:s2+s12], $0x50, $0x200038;
	[tilespmem:$0x1DA80] =	vst v63  }
.LBB2_7:
0x93: {  	s31 =	simm.s32 $0xA  }
0x94: {  	_ =	swait.ge [sflag:s31], $0x2800  }
0x95: {  	[sflag:s31] =	ssyncset.done $0x0  }
0x96: {  	[sflag:s31] =	ssyncadd.s32 $0xFFFFD800  }
0x97: {  	_ =	swait.ge [sflag:s17], $0x2800  }
0x98: {  	[sflag:s17] =	ssyncset.done $0x0  }
0x99: {  	[sflag:s17] =	ssyncadd.s32 $0xFFFFD800  }
0x9a: {  	_ =	strace $0x90000048  }
0x9b: {  	[bflag:$0x0] =	sbarrier.arrive $0xFFFF  }
0x9c: {  	_ =	strace $0x80000049  }
0x9d: {  	s19 =	simm.s32 $0x0;
	s2 =	rddreg [dreg:$0x9]  }
0x9e: {  	[tilespmem:s29], [sflag:$0x5] =	stream.linear.gather [hbm4b:s2+s19], $0x50, $0x200038;
	[tilespmem:$0x1DA80] =	vst v63  }
0x9f: {  	s10 =	simm.s32 $0x1D980;
	s12 =	rddreg [dreg:$0xa]  }
0xa0: {  	[tilespmem:s10], [sflag:$0x7] =	stream.linear.gather [hbm4b:s12+s19], $0x50, $0x200038;
	[tilespmem:$0x1DA80] =	vst v63  }
0xa1: {  	_ =	swait.ge [sflag:s3], $0x50  }
0xa2: {  	[sflag:s3] =	ssyncset.done $0x0  }
0xa3: {  	[sflag:s3] =	ssyncadd.s32 $0xFFFFFFB0  }
0xa4: {  	_ =	swait.ge [sflag:s21], $0x50  }
0xa5: {  	[sflag:s21] =	ssyncset.done $0x0  }
0xa6: {  	[sflag:s21] =	ssyncadd.s32 $0xFFFFFFB0  }
0xa7: {  	[tilespmem:s28], [sflag:$0x1] =	stream.indirect.gather [spmem:s1], $0x80, s29, s15, $0x2000b8;
	[tilespmem:$0x1DA80] =	vst v63  }
0xa8: {  	s13 =	simm.s32 $0x18880  }
0xa9: {  	[tilespmem:s13], [sflag:$0x3] =	stream.indirect.gather [hbm4b:s4+s15], $0x80, s10, s15, $0x2000b8;
	[tilespmem:$0x1DA80] =	vst v63  }
.Ltmp8:
0xaa: {  	s25 =	simm.s32 $0x1D980;
	(pc) =	sbr.rel .LBB2_8-.Ltmp8, $4  }
0xab: {  	s23 =	simm.s32 $0x1D900;
	s24 =	simm.s32 $0x1DA00;
	s14 =	rddreg [dreg:$0xc]  }
0xac: {  	[tilespmem:s23], [sflag:$0x6] =	stream.linear.gather [hbm4b:s14+s19], $0x50, $0x200038;
	[tilespmem:$0x1DA80] =	vst v63  }
0xad: {  	s30 =	simm.s32 $0x2;
	s16 =	rddreg [dreg:$0xd];
	s14 =	simm.s32 $0x16080  }
0xae: {  	[tilespmem:s24], [sflag:$0x8] =	stream.linear.gather [hbm4b:s16+s19], $0x50, $0x200038;
	[tilespmem:$0x1DA80] =	vst v63  }
.LBB2_14:
0xaf: {  	s19 =	sadd.s32 $0x1, s19  }
0xb0: {  	p0 =	sne.s32 s19, $0x3F  }
.Ltmp9:
0xb1: {  	_ = 	snop;
	(pc) =	sbr.rel @!p0 .LBB2_15-.Ltmp9, $1  }
0xb2: {  	_ =	sdelay $0x3  }
.LBB2_8:
0xb3: {  	s24 =	sshllo.u32 s19, $0x1  }
0xb4: {  	p0 =	sgt.u32 s24, $0x7C  }
0xb5: {  	s2 =	simm.s32 @!p0 $0x6  }
0xb6: {  	_ =	swait.ge @!p0 [sflag:s2], $0x50  }
0xb7: {  	[sflag:s2] =	ssyncset.done @!p0 $0x0  }
0xb8: {  	[sflag:s2] =	ssyncadd.s32 @!p0 $0xFFFFFFB0;
	s2 =	simm.s32 @!p0 $0x8  }
0xb9: {  	p1 =	seq.s32 @!p0 s19, $0x0;
	_ =	swait.ge @!p0 [sflag:s2], $0x50  }
0xba: {  	p1 =	por p1, p0;
	[sflag:s2] =	ssyncset.done @!p0 $0x0  }
0xbb: {  	[sflag:s2] =	ssyncadd.s32 @!p0 $0xFFFFFFB0;
	s2 =	simm.s32 @!p1 $0xA  }
0xbc: {  	_ =	swait.ge @!p1 [sflag:s2], $0x2800  }
0xbd: {  	s10 =	simm.s32 @!p0 $0x1D900;
	[sflag:s2] =	ssyncset.done @!p1 $0x0  }
0xbe: {  	s12 =	simm.s32 @!p0 $0x16080;
	[sflag:s2] =	ssyncadd.s32 @!p1 $0xFFFFD800;
	s2 =	simm.s32 @!p0 $0x50  }
0xbf: {  	[tilespmem:s12], [sflag:$0x2] =	stream.indirect.gather @!p0 [spmem:s1], $0x80, s10, s2, $0x2000b8;
	[tilespmem:$0x1DA80] =	vst v63  }
0xc0: {  	p1 =	seq.s32 s19, $0x3E;
	s10 =	simm.s32 @!p0 $0x1DA00;
	s12 =	simm.s32 @!p0 $0x1B080  }
0xc1: {  	[tilespmem:s12], [sflag:$0x4] =	stream.indirect.gather @!p0 [hbm4b:s4+s2], $0x80, s10, s2, $0x2000b8;
	[tilespmem:$0x1DA80] =	vst v63  }
0xc2: {  	s2 =	smul.u32 @!p1 $0xA0, s19;
	_ =	swait.ge [sflag:s0], $0x2800  }
0xc3: {  	[sflag:s0] =	ssyncset.done $0x0  }
0xc4: {  	s13 =	simm.s32 @!p1 $0x1D880;
	s2 =	sadd.s32 @!p1 $0xA0, s2;
	[sflag:s0] =	ssyncadd.s32 $0xFFFFD800  }
0xc5: {  	s12 =	simm.s32 @!p1 $0x0;
	s10 =	sadd.s32 @!p1 s8, s2;
	_ =	swait.ge [sflag:s22], $0x2800  }
0xc6: {  	s2 =	sadd.s32 @!p1 s11, s2;
	s10 =	sshrl.u32 @!p1 s10, $0x3;
	[sflag:s22] =	ssyncset.done $0x0  }
0xc7: {  	s2 =	sshrl.u32 @!p1 s2, $0x3;
	s10 =	sadd.s32 @!p1 s6, s10;
	[sflag:s22] =	ssyncadd.s32 $0xFFFFD800  }
0xc8: {  	[tilespmem:s13], [sflag:$0x5] =	stream.linear.gather @!p1 [hbm4b:s10+s12], $0x50, $0x200038;
	[tilespmem:$0x1DA80] =	vst v63  }
0xc9: {  	s2 =	sadd.s32 @!p1 s7, s2;
	s10 =	simm.s32 @!p1 $0x1D980  }
0xca: {  	[tilespmem:s10], [sflag:$0x7] =	stream.linear.gather @!p1 [hbm4b:s2+s12], $0x50, $0x200038;
	[tilespmem:$0x1DA80] =	vst v63  }
0xcb: {  	s16 =	simm.s32 $0x0;
	s10 =	simm.s32 $0x400  }
.LBB2_9:
0xcc: {  	p1 =	sne.s32 s10, $0x9C00;
	v0 =	vld [tilespmem:s16+$0x18970]  }
0xcd: {  	v1 =	vld [tilespmem:s16+$0x18880]  }
0xce: {  	v2 =	vld [tilespmem:s16+$0x18890]  }
0xcf: {  	v3 =	vld [tilespmem:s16+$0x188A0]  }
0xd0: {  	v4 =	vld [tilespmem:s16+$0x188B0]  }
0xd1: {  	v5 =	vld [tilespmem:s16+$0x188C0];
	v0 =	vsub.f32 $0.0e+00, v0  }
0xd2: {  	v1 =	vsub.f32 $0.0e+00, v1;
	v6 =	vld [tilespmem:s16+$0x188D0]  }
0xd3: {  	v2 =	vsub.f32 $0.0e+00, v2;
	[tilespmem:s16+$0x13970] =	vst.add.f32.msk $0xffff, v0  }
0xd4: {  	v0 =	vsub.f32 $0.0e+00, v3;
	v3 =	vld [tilespmem:s16+$0x188E0]  }
0xd5: {  	v4 =	vsub.f32 $0.0e+00, v4;
	v7 =	vld [tilespmem:s16+$0x188F0]  }
0xd6: {  	v5 =	vsub.f32 $0.0e+00, v5;
	v8 =	vld [tilespmem:s16+$0x18900]  }
0xd7: {  	v6 =	vsub.f32 $0.0e+00, v6;
	v9 =	vld [tilespmem:s16+$0x18910]  }
0xd8: {  	v10 =	vld [tilespmem:s16+$0x18920]  }
0xd9: {  	v3 =	vsub.f32 $0.0e+00, v3;
	v11 =	vld [tilespmem:s16+$0x18930]  }
0xda: {  	v7 =	vsub.f32 $0.0e+00, v7;
	v12 =	vld [tilespmem:s16+$0x18940]  }
0xdb: {  	v8 =	vsub.f32 $0.0e+00, v8;
	v13 =	vld [tilespmem:s16+$0x18950]  }
0xdc: {  	v9 =	vsub.f32 $0.0e+00, v9;
	v14 =	vld [tilespmem:s16+$0x18960]  }
0xdd: {  	[tilespmem:s16+$0x13880] =	vst.add.f32.msk $0xffff, v1;
	v1 =	vsub.f32 $0.0e+00, v10  }
0xde: {  	[tilespmem:s16+$0x13890] =	vst.add.f32.msk $0xffff, v2;
	v2 =	vsub.f32 $0.0e+00, v11  }
0xdf: {  	[tilespmem:s16+$0x138A0] =	vst.add.f32.msk $0xffff, v0;
	v0 =	vsub.f32 $0.0e+00, v12  }
0xe0: {  	[tilespmem:s16+$0x138B0] =	vst.add.f32.msk $0xffff, v4;
	v4 =	vsub.f32 $0.0e+00, v13  }
0xe1: {  	[tilespmem:s16+$0x138C0] =	vst.add.f32.msk $0xffff, v5;
	v5 =	vsub.f32 $0.0e+00, v14  }
0xe2: {  	[tilespmem:s16+$0x138D0] =	vst.add.f32.msk $0xffff, v6  }
0xe3: {  	[tilespmem:s16+$0x138E0] =	vst.add.f32.msk $0xffff, v3  }
0xe4: {  	[tilespmem:s16+$0x138F0] =	vst.add.f32.msk $0xffff, v7  }
0xe5: {  	[tilespmem:s16+$0x13900] =	vst.add.f32.msk $0xffff, v8  }
0xe6: {  	[tilespmem:s16+$0x13910] =	vst.add.f32.msk $0xffff, v9  }
.Ltmp10:
0xe7: {  	[tilespmem:s16+$0x13920] =	vst.add.f32.msk $0xffff, v1;
	(pc) =	sbr.rel @p1 .LBB2_9-.Ltmp10, $4  }
0xe8: {  	[tilespmem:s16+$0x13930] =	vst.add.f32.msk $0xffff, v2  }
0xe9: {  	[tilespmem:s16+$0x13940] =	vst.add.f32.msk $0xffff, v0  }
0xea: {  	[tilespmem:s16+$0x13950] =	vst.add.f32.msk $0xffff, v4  }
0xeb: {  	[tilespmem:s16+$0x13960] =	vst.add.f32.msk $0xffff, v5;
	s16 =	sshra.s32 s10, $0x2;
	s10 =	sadd.s32 $0x400, s10  }
0xec: {  	v0 =	vld [tilespmem:s16+$0x18970]  }
0xed: {  	v1 =	vld [tilespmem:s16+$0x18880]  }
0xee: {  	v2 =	vld [tilespmem:s16+$0x18890]  }
0xef: {  	v3 =	vld [tilespmem:s16+$0x188A0]  }
0xf0: {  	v4 =	vld [tilespmem:s16+$0x188B0]  }
0xf1: {  	v5 =	vld [tilespmem:s16+$0x188C0]  }
0xf2: {  	v6 =	vld [tilespmem:s16+$0x188D0]  }
0xf3: {  	v52 =	vld [tilespmem:s16+$0x188E0]  }
0xf4: {  	v7 =	vld [tilespmem:s16+$0x188F0]  }
0xf5: {  	v8 =	vld [tilespmem:s16+$0x18900]  }
0xf6: {  	v9 =	vld [tilespmem:s16+$0x18910]  }
0xf7: {  	v10 =	vld [tilespmem:s16+$0x18920]  }
0xf8: {  	v11 =	vld [tilespmem:s16+$0x18930]  }
0xf9: {  	v12 =	vld [tilespmem:s16+$0x18940]  }
0xfa: {  	v13 =	vld [tilespmem:s16+$0x18950];
	v0 =	vsub.f32 $0.0e+00, v0  }
0xfb: {  	v14 =	vld [tilespmem:s16+$0x18960];
	v1 =	vsub.f32 $0.0e+00, v1  }
0xfc: {  	v2 =	vsub.f32 $0.0e+00, v2;
	[tilespmem:s16+$0x13970] =	vst.add.f32.msk $0xffff, v0  }
0xfd: {  	v3 =	vsub.f32 $0.0e+00, v3;
	[tilespmem:s16+$0x13880] =	vst.add.f32.msk $0xffff, v1  }
0xfe: {  	v53 =	vsub.f32 $0.0e+00, v4;
	[tilespmem:s16+$0x13890] =	vst.add.f32.msk $0xffff, v2  }
0xff: {  	v54 =	vsub.f32 $0.0e+00, v5;
	[tilespmem:s16+$0x138A0] =	vst.add.f32.msk $0xffff, v3  }
0x100: {  	v55 =	vsub.f32 $0.0e+00, v6;
	[tilespmem:s16+$0x138B0] =	vst.add.f32.msk $0xffff, v53  }
0x101: {  	v56 =	vsub.f32 $0.0e+00, v7;
	[tilespmem:s16+$0x138C0] =	vst.add.f32.msk $0xffff, v54  }
0x102: {  	v57 =	vsub.f32 $0.0e+00, v8;
	[tilespmem:s16+$0x138D0] =	vst.add.f32.msk $0xffff, v55  }
0x103: {  	v58 =	vsub.f32 $0.0e+00, v9;
	[tilespmem:s16+$0x138F0] =	vst.add.f32.msk $0xffff, v56  }
0x104: {  	v59 =	vsub.f32 $0.0e+00, v10;
	[tilespmem:s16+$0x13900] =	vst.add.f32.msk $0xffff, v57  }
0x105: {  	v60 =	vsub.f32 $0.0e+00, v11;
	[tilespmem:s16+$0x13910] =	vst.add.f32.msk $0xffff, v58  }
0x106: {  	v61 =	vsub.f32 $0.0e+00, v12;
	[tilespmem:s16+$0x13920] =	vst.add.f32.msk $0xffff, v59  }
0x107: {  	s10 =	smul.u32 $0xA0, s19;
	v62 =	vsub.f32 $0.0e+00, v13;
	[tilespmem:s16+$0x13930] =	vst.add.f32.msk $0xffff, v60  }
.Ltmp11:
0x108: {  	v63 =	vsub.f32 $0.0e+00, v14;
	[tilespmem:s16+$0x13940] =	vst.add.f32.msk $0xffff, v61;
	(pc) =	sbr.rel @p0 .LBB2_14-.Ltmp11, $4  }
0x109: {  	s2 =	sadd.s32 s8, s10;
	v0 =	vsub.f32 $0.0e+00, v52;
	[tilespmem:s16+$0x13950] =	vst.add.f32.msk $0xffff, v62  }
0x10a: {  	s2 =	sshll.u32 s2, $0x5;
	[tilespmem:s16+$0x13960] =	vst.add.f32.msk $0xffff, v63  }
0x10b: {  	s12 =	simm.s32 $0x400;
	s13 =	simm.s32 $0x800;
	s2 =	sadd.s32 s2, s18;
	[tilespmem:s16+$0x138E0] =	vst.add.f32.msk $0xffff, v0  }
0x10c: {  	[hbm4b:s2+s12] =	stream.strided.scatter [tilespmem:s28], [sflag:$0x9], $0x2800, s13, s12, $0x200038;
	[tilespmem:$0x1DA80] =	vst v63  }
0x10d: {  	_ =	swait.ge [sflag:s3], $0x50  }
0x10e: {  	[sflag:s3] =	ssyncset.done $0x0  }
0x10f: {  	[sflag:s3] =	ssyncadd.s32 $0xFFFFFFB0  }
0x110: {  	_ =	swait.ge [sflag:s21], $0x50  }
0x111: {  	[sflag:s21] =	ssyncset.done $0x0  }
0x112: {  	[sflag:s21] =	ssyncadd.s32 $0xFFFFFFB0  }
0x113: {  	_ =	swait.ge [sflag:s17], $0x2800  }
0x114: {  	[sflag:s17] =	ssyncset.done $0x0  }
0x115: {  	[sflag:s17] =	ssyncadd.s32 $0xFFFFD800  }
0x116: {  	[tilespmem:s28], [sflag:$0x1] =	stream.indirect.gather [spmem:s1], $0x80, s29, s15, $0x2000b8;
	[tilespmem:$0x1DA80] =	vst v63  }
0x117: {  	s2 =	simm.s32 $0x18880  }
0x118: {  	[tilespmem:s2], [sflag:$0x3] =	stream.indirect.gather [hbm4b:s4+s15], $0x80, s25, s15, $0x2000b8;
	[tilespmem:$0x1DA80] =	vst v63  }
0x119: {  	_ =	swait.ge [sflag:s30], $0x2800  }
0x11a: {  	p0 =	sgt.u32 s19, $0x3C;
	s12 =	simm.s32 $0x4;
	[sflag:s30] =	ssyncset.done $0x0  }
0x11b: {  	s13 =	simm.s32 @!p0 $0x1D900;
	s2 =	sadd.s32 @!p0 $0xF0, s10;
	[sflag:s30] =	ssyncadd.s32 $0xFFFFD800  }
0x11c: {  	s10 =	sadd.s32 @!p0 s8, s2;
	s2 =	sadd.s32 @!p0 s11, s2;
	_ =	swait.ge [sflag:s12], $0x2800  }
0x11d: {  	s10 =	sshrl.u32 @!p0 s10, $0x3;
	s2 =	sshrl.u32 @!p0 s2, $0x3;
	[sflag:s12] =	ssyncset.done $0x0  }
0x11e: {  	s10 =	sadd.s32 @!p0 s6, s10;
	[sflag:s12] =	ssyncadd.s32 $0xFFFFD800;
	s12 =	simm.s32 @!p0 $0x0  }
0x11f: {  	[tilespmem:s13], [sflag:$0x6] =	stream.linear.gather @!p0 [hbm4b:s10+s12], $0x50, $0x200038;
	[tilespmem:$0x1DA80] =	vst v63  }
0x120: {  	s2 =	sadd.s32 @!p0 s7, s2;
	s10 =	simm.s32 @!p0 $0x1DA00  }
0x121: {  	[tilespmem:s10], [sflag:$0x8] =	stream.linear.gather @!p0 [hbm4b:s2+s12], $0x50, $0x200038;
	[tilespmem:$0x1DA80] =	vst v63  }
0x122: {  	s16 =	simm.s32 $0x0;
	s10 =	simm.s32 $0x400  }
.LBB2_12:
0x123: {  	p0 =	sne.s32 s10, $0x9C00;
	v0 =	vld [tilespmem:s16+$0x1B170]  }
0x124: {  	v1 =	vld [tilespmem:s16+$0x1B080]  }
0x125: {  	v2 =	vld [tilespmem:s16+$0x1B090]  }
0x126: {  	v3 =	vld [tilespmem:s16+$0x1B0A0]  }
0x127: {  	v4 =	vld [tilespmem:s16+$0x1B0B0]  }
0x128: {  	v5 =	vld [tilespmem:s16+$0x1B0C0];
	v0 =	vsub.f32 $0.0e+00, v0  }
0x129: {  	v1 =	vsub.f32 $0.0e+00, v1;
	v6 =	vld [tilespmem:s16+$0x1B0D0]  }
0x12a: {  	v2 =	vsub.f32 $0.0e+00, v2;
	[tilespmem:s16+$0x16170] =	vst.add.f32.msk $0xffff, v0  }
0x12b: {  	v0 =	vsub.f32 $0.0e+00, v3;
	v3 =	vld [tilespmem:s16+$0x1B0E0]  }
0x12c: {  	v4 =	vsub.f32 $0.0e+00, v4;
	v7 =	vld [tilespmem:s16+$0x1B0F0]  }
0x12d: {  	v5 =	vsub.f32 $0.0e+00, v5;
	v8 =	vld [tilespmem:s16+$0x1B100]  }
0x12e: {  	v6 =	vsub.f32 $0.0e+00, v6;
	v9 =	vld [tilespmem:s16+$0x1B110]  }
0x12f: {  	v10 =	vld [tilespmem:s16+$0x1B120]  }
0x130: {  	v3 =	vsub.f32 $0.0e+00, v3;
	v11 =	vld [tilespmem:s16+$0x1B130]  }
0x131: {  	v7 =	vsub.f32 $0.0e+00, v7;
	v12 =	vld [tilespmem:s16+$0x1B140]  }
0x132: {  	v8 =	vsub.f32 $0.0e+00, v8;
	v13 =	vld [tilespmem:s16+$0x1B150]  }
0x133: {  	v9 =	vsub.f32 $0.0e+00, v9;
	v14 =	vld [tilespmem:s16+$0x1B160]  }
0x134: {  	[tilespmem:s16+$0x16080] =	vst.add.f32.msk $0xffff, v1;
	v1 =	vsub.f32 $0.0e+00, v10  }
0x135: {  	[tilespmem:s16+$0x16090] =	vst.add.f32.msk $0xffff, v2;
	v2 =	vsub.f32 $0.0e+00, v11  }
0x136: {  	[tilespmem:s16+$0x160A0] =	vst.add.f32.msk $0xffff, v0;
	v0 =	vsub.f32 $0.0e+00, v12  }
0x137: {  	[tilespmem:s16+$0x160B0] =	vst.add.f32.msk $0xffff, v4;
	v4 =	vsub.f32 $0.0e+00, v13  }
0x138: {  	[tilespmem:s16+$0x160C0] =	vst.add.f32.msk $0xffff, v5;
	v5 =	vsub.f32 $0.0e+00, v14  }
0x139: {  	[tilespmem:s16+$0x160D0] =	vst.add.f32.msk $0xffff, v6  }
0x13a: {  	[tilespmem:s16+$0x160E0] =	vst.add.f32.msk $0xffff, v3  }
0x13b: {  	[tilespmem:s16+$0x160F0] =	vst.add.f32.msk $0xffff, v7  }
0x13c: {  	[tilespmem:s16+$0x16100] =	vst.add.f32.msk $0xffff, v8  }
0x13d: {  	[tilespmem:s16+$0x16110] =	vst.add.f32.msk $0xffff, v9  }
.Ltmp12:
0x13e: {  	[tilespmem:s16+$0x16120] =	vst.add.f32.msk $0xffff, v1;
	(pc) =	sbr.rel @p0 .LBB2_12-.Ltmp12, $4  }
0x13f: {  	[tilespmem:s16+$0x16130] =	vst.add.f32.msk $0xffff, v2  }
0x140: {  	[tilespmem:s16+$0x16140] =	vst.add.f32.msk $0xffff, v0  }
0x141: {  	[tilespmem:s16+$0x16150] =	vst.add.f32.msk $0xffff, v4  }
0x142: {  	[tilespmem:s16+$0x16160] =	vst.add.f32.msk $0xffff, v5;
	s16 =	sshra.s32 s10, $0x2;
	s10 =	sadd.s32 $0x400, s10  }
0x143: {  	v0 =	vld [tilespmem:s16+$0x1B170]  }
0x144: {  	v1 =	vld [tilespmem:s16+$0x1B080]  }
0x145: {  	v2 =	vld [tilespmem:s16+$0x1B090]  }
0x146: {  	v3 =	vld [tilespmem:s16+$0x1B0A0]  }
0x147: {  	v4 =	vld [tilespmem:s16+$0x1B0B0]  }
0x148: {  	v5 =	vld [tilespmem:s16+$0x1B0C0]  }
0x149: {  	v6 =	vld [tilespmem:s16+$0x1B0D0]  }
0x14a: {  	v52 =	vld [tilespmem:s16+$0x1B0E0]  }
0x14b: {  	v7 =	vld [tilespmem:s16+$0x1B0F0]  }
0x14c: {  	v8 =	vld [tilespmem:s16+$0x1B100]  }
0x14d: {  	v9 =	vld [tilespmem:s16+$0x1B110]  }
0x14e: {  	v10 =	vld [tilespmem:s16+$0x1B120]  }
0x14f: {  	v11 =	vld [tilespmem:s16+$0x1B130]  }
0x150: {  	v12 =	vld [tilespmem:s16+$0x1B140]  }
0x151: {  	v13 =	vld [tilespmem:s16+$0x1B150];
	v0 =	vsub.f32 $0.0e+00, v0  }
0x152: {  	v14 =	vld [tilespmem:s16+$0x1B160];
	v1 =	vsub.f32 $0.0e+00, v1  }
0x153: {  	v2 =	vsub.f32 $0.0e+00, v2;
	[tilespmem:s16+$0x16170] =	vst.add.f32.msk $0xffff, v0  }
0x154: {  	v3 =	vsub.f32 $0.0e+00, v3;
	[tilespmem:s16+$0x16080] =	vst.add.f32.msk $0xffff, v1  }
0x155: {  	v53 =	vsub.f32 $0.0e+00, v4;
	[tilespmem:s16+$0x16090] =	vst.add.f32.msk $0xffff, v2  }
0x156: {  	v54 =	vsub.f32 $0.0e+00, v5;
	[tilespmem:s16+$0x160A0] =	vst.add.f32.msk $0xffff, v3  }
0x157: {  	v55 =	vsub.f32 $0.0e+00, v6;
	[tilespmem:s16+$0x160B0] =	vst.add.f32.msk $0xffff, v53  }
0x158: {  	v56 =	vsub.f32 $0.0e+00, v7;
	[tilespmem:s16+$0x160C0] =	vst.add.f32.msk $0xffff, v54  }
0x159: {  	v57 =	vsub.f32 $0.0e+00, v8;
	[tilespmem:s16+$0x160D0] =	vst.add.f32.msk $0xffff, v55  }
0x15a: {  	v58 =	vsub.f32 $0.0e+00, v9;
	[tilespmem:s16+$0x160F0] =	vst.add.f32.msk $0xffff, v56  }
0x15b: {  	v59 =	vsub.f32 $0.0e+00, v10;
	[tilespmem:s16+$0x16100] =	vst.add.f32.msk $0xffff, v57  }
0x15c: {  	v60 =	vsub.f32 $0.0e+00, v11;
	[tilespmem:s16+$0x16110] =	vst.add.f32.msk $0xffff, v58  }
0x15d: {  	v61 =	vsub.f32 $0.0e+00, v12;
	[tilespmem:s16+$0x16120] =	vst.add.f32.msk $0xffff, v59  }
0x15e: {  	s2 =	smul.u32 $0x50, s24;
	v62 =	vsub.f32 $0.0e+00, v13;
	[tilespmem:s16+$0x16130] =	vst.add.f32.msk $0xffff, v60  }
.Ltmp13:
0x15f: {  	v63 =	vsub.f32 $0.0e+00, v14;
	[tilespmem:s16+$0x16140] =	vst.add.f32.msk $0xffff, v61;
	(pc) =	sbr.rel .LBB2_14-.Ltmp13, $4  }
0x160: {  	s2 =	sadd.s32 s8, s2;
	v0 =	vsub.f32 $0.0e+00, v52;
	[tilespmem:s16+$0x16150] =	vst.add.f32.msk $0xffff, v62  }
0x161: {  	s2 =	sshll.u32 s2, $0x5;
	[tilespmem:s16+$0x16160] =	vst.add.f32.msk $0xffff, v63  }
0x162: {  	s10 =	simm.s32 $0x400;
	s12 =	simm.s32 $0x800;
	s2 =	sadd.s32 s2, s18;
	[tilespmem:s16+$0x160E0] =	vst.add.f32.msk $0xffff, v0  }
0x163: {  	[hbm4b:s2+s10] =	stream.strided.scatter [tilespmem:s14], [sflag:$0xA], $0x2800, s12, s10, $0x200038;
	[tilespmem:$0x1DA80] =	vst v63  }
.LBB2_16:
0x164: {  	_ =	sfence.sel $0x180000  }
0x165: {  	[bflag:$0x0] =	sbarrier.arrive $0xFFFF  }
0x166: {  	_ =	strace $0x90000047  }
0x167: {  	s0 =	stileid.u32;
	[bflag:$0x2] =	sbarrier.arrive $0xFFFF  }
0x168: {  	p0 =	sne.s32 s0, $0x0;
	s0 =	rddreg [dreg:$0x3]  }
0x169: {  	s0 =	sadd.s32 @!p0 $0x100000, s0  }
0x16a: {  	[sflag:s0] =	ssyncadd.tile.s32 @!p0 $0x1;
	_ =	shalt  }
.Lfunc_end2:
_tile_overlayer_lowered:
.L_overlay_start_2:
0x16b: {  	(tag) =	ssettag $0x2  }
0x16c: {  	s0 =	rddreg [dreg:$0x0];
	s2 =	stileid.u32  }
0x16d: {  	s1 =	rddreg [dreg:$0x1];
	p0 =	sne.s32 s2, $0x0  }
0x16e: {  	s3 =	rddreg [dreg:$0x2];
	[bflag:$0x3] =	sbarrier.arrive $0xFFFF;
	s2 =	simm.s32 @!p0 $0x1C0B  }
0x16f: {  	[timem:s3], [sflag:s2] =	dma.local @!p0 [hbm:s0], s1  }
0x170: {  	s0 =	simm.s32 @!p0 $0xB  }
0x171: {  	_ =	swait.ge @!p0 [sflag:s0], s1  }
0x172: {  	s1 =	ssub.s32 @!p0 $0x0, s1;
	[sflag:s0] =	ssyncset.done @!p0 $0x0  }
0x173: {  	[sflag:s0] =	ssyncadd.s32 @!p0 s1  }
0x174: {  	[bflag:$0x3] =	sbarrier.arrive $0xFFFF  }
0x175: {  	_ =	shalt  }

</sc_bundles>
